<compile_context>
chip_gen: v7x
topology: tpu7x:2x2x1
jax: 0.10.2.dev20260603
libtpu: 0.0.44.dev20260713+nightly
codegen_flags: <defaults>
</compile_context>

<pallas_src>
import functools

import jax
import jax.numpy as jnp
from jax import lax
from jax.experimental import pallas as pl
from jax.experimental.pallas import tpu as pltpu
from jax.experimental.pallas import tpu_sc as plsc

B = 32; T = 20; G = 300; H = 512
R = 36; IMG = 2048; REL = 7
SN = 40; SD = 300; SE = 60; SRD = 300
FN = 100; FD = 1024
PN = 1024; PR = 512; PS = 512; PF = 512

NC, NS = 2, 16
NW = NC * NS
QTOT = B * T
PER_W = 24
QPAD = NW * PER_W
GP = 384
V = 20000
BB = 8


def _dot_t(x, w):
    return lax.dot_general(x, w, (((1,), (1,)), ((), ())),
                           preferred_element_type=jnp.float32)


def _bf(x):
    return x.astype(jnp.bfloat16)


def _pad_body(xt_ref, o_ref):
    blk = jnp.swapaxes(xt_ref[...], 0, 1)
    o_ref[...] = jnp.concatenate(
        [blk, jnp.zeros((blk.shape[0], GP - G), jnp.float32)], axis=1)


def _pad_glove_t(glove_t):
    bm = 512
    grid = (V + bm - 1) // bm
    return pl.pallas_call(
        _pad_body,
        grid=(grid,),
        in_specs=[pl.BlockSpec((G, bm), lambda i: (0, i))],
        out_specs=pl.BlockSpec((bm, GP), lambda i: (i, 0)),
        out_shape=jax.ShapeDtypeStruct((V, GP), jnp.float32),
    )(glove_t)


def _sc_gather_rows(glove_pad, idx):
    mesh = plsc.VectorSubcoreMesh(core_axis_name="c", subcore_axis_name="s")

    @functools.partial(
        pl.kernel, mesh=mesh,
        out_type=jax.ShapeDtypeStruct((QPAD, GP), jnp.float32),
        scratch_types=[
            pltpu.VMEM((PER_W,), jnp.int32),
            pltpu.VMEM((PER_W, GP), jnp.float32),
            pltpu.SemaphoreType.DMA,
        ],
    )
    def gather_k(glove_hbm, idx_hbm, out_hbm, idx_v, rows_v, sem):
        wid = lax.axis_index("s") * NC + lax.axis_index("c")
        base = wid * PER_W
        pltpu.sync_copy(idx_hbm.at[pl.ds(base, PER_W)], idx_v)
        pltpu.async_copy(glove_hbm.at[idx_v], rows_v, sem).wait()
        pltpu.sync_copy(rows_v, out_hbm.at[pl.ds(base, PER_W)])

    return gather_k(glove_pad, idx)


def _lstm_body(qe_ref, wihT_ref, whh_ref, bias_ref, lens_ref,
               wq_vn, bq_vn, wq_vr, bq_vr, wq_sn, bq_sn,
               wq_sr, bq_sr, wq_fn, bq_fn,
               pq_ref, rq_ref, sq_ref, eq_ref, fq_ref, xg_ref):
    xg_ref[...] = (
        jnp.dot(qe_ref[pl.ds(0, QTOT), pl.ds(0, G)], wihT_ref[...],
                preferred_element_type=jnp.float32)
        + bias_ref[...]
    )

    def step(t, carry):
        h, c, hlast = carry
        g = xg_ref[pl.ds(t * B, B), :] + _dot_t(h, whh_ref[...])
        i = jax.nn.sigmoid(g[:, :H])
        f = jax.nn.sigmoid(g[:, H:2 * H])
        gg = jnp.tanh(g[:, 2 * H:3 * H])
        o = jax.nn.sigmoid(g[:, 3 * H:])
        c = f * c + i * gg
        h = o * jnp.tanh(c)
        msk = (lens_ref[:, :1] - 1) == t
        hlast = jnp.where(msk, h, hlast)
        return (h, c, hlast)

    z = jnp.zeros((B, H), jnp.float32)
    _, _, hlast = lax.fori_loop(0, T, step, (z, z, z))
    pq_ref[...] = _dot_t(hlast, wq_vn[...]) + bq_vn[...]
    rq_ref[...] = _dot_t(hlast, wq_vr[...]) + bq_vr[...]
    sq_ref[...] = _dot_t(hlast, wq_sn[...]) + bq_sn[...]
    eq_ref[...] = _dot_t(hlast, wq_sr[...]) + bq_sr[...]
    fq_ref[...] = _dot_t(hlast, wq_fn[...]) + bq_fn[...]


def _lstm_call(qe, wihT, whh, bias, lens, wqs):
    return pl.pallas_call(
        _lstm_body,
        out_shape=[
            jax.ShapeDtypeStruct((B, PN), jnp.float32),
            jax.ShapeDtypeStruct((B, PR), jnp.float32),
            jax.ShapeDtypeStruct((B, PS), jnp.float32),
            jax.ShapeDtypeStruct((B, PR), jnp.float32),
            jax.ShapeDtypeStruct((B, PF), jnp.float32),
        ],
        scratch_shapes=[pltpu.VMEM((QTOT, 4 * H), jnp.float32)],
    )(qe, wihT, whh, bias, lens, *wqs)


def _mm_t_body(x_ref, w_ref, b_ref, o_ref):
    o_ref[...] = lax.dot_general(
        _bf(x_ref[...]), _bf(w_ref[...]), (((1,), (1,)), ((), ())),
        preferred_element_type=jnp.float32) + b_ref[...]


def _mm_n_body(x_ref, w_ref, b_ref, o_ref):
    o_ref[...] = lax.dot_general(
        _bf(x_ref[...]), _bf(w_ref[...]), (((1,), (0,)), ((), ())),
        preferred_element_type=jnp.float32) + b_ref[...]


def _proj(x, w, b, bm, transposed):
    m, k = x.shape
    n = w.shape[0] if transposed else w.shape[1]
    return pl.pallas_call(
        _mm_t_body if transposed else _mm_n_body,
        grid=(m // bm,),
        in_specs=[
            pl.BlockSpec((bm, k), lambda i: (i, 0)),
            pl.BlockSpec(w.shape, lambda i: (0, 0)),
            pl.BlockSpec((1, n), lambda i: (0, 0)),
        ],
        out_specs=pl.BlockSpec((bm, n), lambda i: (i, 0)),
        out_shape=jax.ShapeDtypeStruct((m, n), jnp.float32),
    )(x, w, b)


def _att_body(pq_ref, rq_ref, sq_ref, eq_ref, fq_ref,
              pi_ref, rel_ref, ss_ref, ee_ref, fn_ref,
              wr7, br_vr, bvr,
              w_vn, w_vr, w_sn, w_sr, w_fn,
              o_vn, o_vr, o_sn, o_sr, o_fn):
    def head(pq, proj, wv):
        s = jnp.tanh(pq[:, None, :] + proj)
        return jnp.sum(s * wv[None], axis=-1)

    def head_t(pq, proj_t, wv):
        s = jnp.tanh(pq[None, :, :] + proj_t)
        return jnp.sum(s * wv[None], axis=-1)

    def smax(x):
        m = jnp.max(x, axis=1, keepdims=True)
        e = jnp.exp(x - m)
        return e / jnp.sum(e, axis=1, keepdims=True)

    def smax_t(x):
        m = jnp.max(x, axis=0, keepdims=True)
        e = jnp.exp(x - m)
        return lax.transpose(e / jnp.sum(e, axis=0, keepdims=True), (1, 0))

    o_vn[...] = smax_t(head_t(pq_ref[...], pi_ref[...], w_vn[...]))
    o_sn[...] = smax(head(sq_ref[...], ss_ref[...], w_sn[...]))
    o_sr[...] = smax_t(head_t(eq_ref[...], ee_ref[...], w_sr[...]))
    o_fn[...] = smax_t(head_t(fq_ref[...], fn_ref[...], w_fn[...]))
    rel4 = rel_ref[...]
    for bi in range(BB):
        xi = jnp.swapaxes(rel4[:, :, bi, :], 0, 1)
        xt = lax.transpose(xi.reshape(REL, R * R), (1, 0))
        rr = jnp.dot(xt, wr7[...],
                     preferred_element_type=jnp.float32) + br_vr[...]
        s = jnp.tanh(rq_ref[pl.ds(bi, 1), :] + rr)
        v = jnp.sum(s * w_vr[...], axis=-1, keepdims=True) + bvr[...]
        o_vr[pl.ds(bi, 1), :] = lax.transpose(v, (1, 0))


def _att_call(pqs, pi, rel, ss, ee, fn, ws):
    def bspec(shape):
        return pl.BlockSpec((BB,) + shape[1:],
                            lambda i: (i,) + (0,) * (len(shape) - 1))

    def tspec(shape):
        return pl.BlockSpec((shape[0], BB, shape[2]), lambda i: (0, i, 0))

    def cspec(shape):
        return pl.BlockSpec(shape, lambda i: (0,) * len(shape))

    ins = list(pqs) + [pi, rel, ss, ee, fn] + ws
    in_specs = [bspec(x.shape) for x in pqs]
    in_specs += [tspec(pi.shape),
                 pl.BlockSpec((R, REL, BB, R), lambda i: (0, 0, i, 0)),
                 bspec(ss.shape), tspec(ee.shape), tspec(fn.shape)]
    in_specs += [cspec(w.shape) for w in ws]
    out_shapes = [
        jax.ShapeDtypeStruct((B, R), jnp.float32),
        jax.ShapeDtypeStruct((B, R * R), jnp.float32),
        jax.ShapeDtypeStruct((B, SN), jnp.float32),
        jax.ShapeDtypeStruct((B, SE), jnp.float32),
        jax.ShapeDtypeStruct((B, FN), jnp.float32),
    ]
    out_specs = [bspec(s.shape) for s in out_shapes]
    return pl.pallas_call(
        _att_body,
        grid=(B // BB,),
        in_specs=in_specs,
        out_specs=out_specs,
        out_shape=out_shapes,
    )(*ins)


def kernel(questions, question_length, images, img_relations,
           sem_node_features, sem_edge_features, fact_node_features,
           glove, params):
    p = params

    idx = questions.astype(jnp.int32).T.reshape(-1)
    idx = jnp.concatenate([idx, jnp.zeros((QPAD - QTOT,), jnp.int32)])
    qe = _sc_gather_rows(_pad_glove_t(glove.T), idx)

    bias = (p["bih"] + p["bhh"]).reshape(1, 4 * H)
    lens = jnp.broadcast_to(
        question_length.astype(jnp.int32)[:, None], (B, 128))
    wqs = [
        p["vn_Wq"], p["vn_bq"].reshape(1, PN),
        p["vr_Wq"], p["vr_bq"].reshape(1, PR),
        p["sn_Wq"], p["sn_bq"].reshape(1, PS),
        p["sr_Wq"], p["sr_bq"].reshape(1, PR),
        p["fn_Wq"], p["fn_bq"].reshape(1, PF),
    ]
    pqs = list(_lstm_call(qe, p["Wih"].T, p["Whh"], bias, lens, wqs))

    pi = _proj(jnp.swapaxes(images, 0, 1).reshape(R * B, IMG), p["vn_Wi"],
               p["vn_bi"].reshape(1, PN), 128, True).reshape(R, B, PN)
    fn = _proj(jnp.swapaxes(fact_node_features, 0, 1).reshape(FN * B, FD),
               p["fn_Wn"], p["fn_bn"].reshape(1, PF), 128,
               True).reshape(FN, B, PF)
    ss = _proj(sem_node_features.reshape(B * SN, SD), p["sn_Ws"].T,
               p["sn_bs"].reshape(1, PS), 128, False).reshape(B, SN, PS)
    ee = _proj(jnp.swapaxes(sem_edge_features, 0, 1).reshape(SE * B, SRD),
               p["sr_Wr"].T, p["sr_br"].reshape(1, PR), 128,
               False).reshape(SE, B, PR)

    rel = jnp.transpose(img_relations, (1, 3, 0, 2))

    ws = [
        p["vr_Wr"].T, p["vr_br"].reshape(1, PR), p["vr_b"].reshape(1, 1),
        p["vn_w"].reshape(1, PN), p["vr_w"].reshape(1, PR),
        p["sn_w"].reshape(1, PS), p["sr_w"].reshape(1, PR),
        p["fn_w"].reshape(1, PF),
    ]
    o_vn, o_vr, o_sn, o_sr, o_fn = _att_call(pqs, pi, rel, ss, ee, fn, ws)
    return o_vn, o_vr.reshape(B, R, R), o_sn, o_sr, o_fn

# --- scband reference (transcript-rebuilt; emitter-appended) ---
"""Pipeline reference for scband-cmgcnnet-26328149525017 (READ-ONLY COPY).

The authoritative reference and input builder live on the scoring server;
editing this copy changes nothing except your own understanding.
"""

import jax, jax.numpy as jnp
import numpy as np

B = 32; T = 20; V = 20000; G = 300; H = 512
R = 36; IMG = 2048; REL = 7
SN = 40; SD = 300; SE = 60; SRD = 300
FN = 100; FD = 1024
PN = 1024; PR = 512; PS = 512; PF = 512


def _init(key, shape):
    return jax.random.normal(key, shape, dtype=jnp.float32) * 0.02


_PARAM_SHAPES = [
    ("Wih", (4 * H, G)), ("Whh", (4 * H, H)), ("bih", (4 * H,)), ("bhh", (4 * H,)),
    ("vn_Wq", (PN, H)), ("vn_bq", (PN,)), ("vn_Wi", (PN, IMG)), ("vn_bi", (PN,)), ("vn_w", (PN,)), ("vn_b", (1,)),
    ("vr_Wq", (PR, H)), ("vr_bq", (PR,)), ("vr_Wr", (PR, REL)), ("vr_br", (PR,)), ("vr_w", (PR,)), ("vr_b", (1,)),
    ("sn_Wq", (PS, H)), ("sn_bq", (PS,)), ("sn_Ws", (PS, SD)), ("sn_bs", (PS,)), ("sn_w", (PS,)), ("sn_b", (1,)),
    ("sr_Wq", (PR, H)), ("sr_bq", (PR,)), ("sr_Wr", (PR, SRD)), ("sr_br", (PR,)), ("sr_w", (PR,)), ("sr_b", (1,)),
    ("fn_Wq", (PF, H)), ("fn_bq", (PF,)), ("fn_Wn", (PF, FD)), ("fn_bn", (PF,)), ("fn_w", (PF,)), ("fn_b", (1,)),
]


def setup_inputs(seed: int = 0) -> dict:
    key = jax.random.key(seed)
    ks = jax.random.split(key, 8 + len(_PARAM_SHAPES))
    inp = {}
    inp["questions"] = jax.random.randint(ks[0], (B, T), 0, V)
    inp["question_length"] = jax.random.randint(ks[1], (B,), 1, T + 1)
    inp["images"] = jax.random.normal(ks[2], (B, R, IMG), dtype=jnp.float32)
    inp["img_relations"] = jax.random.normal(ks[3], (B, R, R, REL), dtype=jnp.float32)
    inp["sem_node_features"] = jax.random.normal(ks[4], (B, SN, SD), dtype=jnp.float32)
    inp["sem_edge_features"] = jax.random.normal(ks[5], (B, SE, SRD), dtype=jnp.float32)
    inp["fact_node_features"] = jax.random.normal(ks[6], (B, FN, FD), dtype=jnp.float32)
    inp["glove"] = jax.random.normal(ks[7], (V, G), dtype=jnp.float32)
    params = {}
    for i, (name, shp) in enumerate(_PARAM_SHAPES):
        params[name] = _init(ks[8 + i], shp)
    inp["params"] = params
    return inp


def _lstm_last(x, lens, p):
    # DynamicRNN(LSTM): run LSTM, take hidden state at last valid timestep per sample
    Bx = x.shape[0]
    h0 = jnp.zeros((Bx, H), dtype=x.dtype)
    c0 = jnp.zeros((Bx, H), dtype=x.dtype)

    def step(carry, xt):
        h, c = carry
        g = xt @ p["Wih"].T + h @ p["Whh"].T + p["bih"] + p["bhh"]
        i, f, gg, o = jnp.split(g, 4, axis=-1)
        i = jax.nn.sigmoid(i); f = jax.nn.sigmoid(f)
        gg = jnp.tanh(gg); o = jax.nn.sigmoid(o)
        c = f * c + i * gg
        h = o * jnp.tanh(c)
        return (h, c), h

    _, hs = jax.lax.scan(step, (h0, c0), jnp.swapaxes(x, 0, 1))
    hs = jnp.swapaxes(hs, 0, 1)  # [B, T, H]
    return hs[jnp.arange(Bx), lens - 1]


def reference(questions, question_length, images, img_relations,
              sem_node_features, sem_edge_features, fact_node_features,
              glove, params):
    p = params
    # frozen glove embedding lookup (gather)
    qe = jnp.take(glove, questions, axis=0)  # [B, T, G]
    q = _lstm_last(qe, question_length, p)   # [B, H]

    # visual node attention
    pq = q @ p["vn_Wq"].T + p["vn_bq"]                       # [B, PN]
    pi = images @ p["vn_Wi"].T + p["vn_bi"]                  # [B, 36, PN]
    s = jnp.tanh(pq[:, None, :] + pi)
    vis_node_att = jax.nn.softmax(s @ p["vn_w"] + p["vn_b"], axis=-1)  # [B, 36]

    # visual relation attention
    rq = q @ p["vr_Wq"].T + p["vr_bq"]                       # [B, PR]
    rr = img_relations @ p["vr_Wr"].T + p["vr_br"]           # [B, 36, 36, PR]
    sr = jnp.tanh(rq[:, None, None, :] + rr)
    vis_rel_att = sr @ p["vr_w"] + p["vr_b"]                 # [B, 36, 36]

    # semantic node attention (softmax over nodes, dim=0 per sample -> axis=1 batched)
    sq = q @ p["sn_Wq"].T + p["sn_bq"]
    ss = sem_node_features @ p["sn_Ws"].T + p["sn_bs"]       # [B, SN, PS]
    sn = jnp.tanh(sq[:, None, :] + ss)
    sem_node_att = jax.nn.softmax(sn @ p["sn_w"] + p["sn_b"], axis=1)  # [B, SN]

    # semantic relation attention
    eq = q @ p["sr_Wq"].T + p["sr_bq"]
    ee = sem_edge_features @ p["sr_Wr"].T + p["sr_br"]       # [B, SE, PR]
    se = jnp.tanh(eq[:, None, :] + ee)
    sem_rel_att = jax.nn.softmax(se @ p["sr_w"] + p["sr_b"], axis=1)   # [B, SE]

    # fact node attention
    fq = q @ p["fn_Wq"].T + p["fn_bq"]
    fn = fact_node_features @ p["fn_Wn"].T + p["fn_bn"]      # [B, FN, PF]
    sf = jnp.tanh(fq[:, None, :] + fn)
    fact_node_att = jax.nn.softmax(sf @ p["fn_w"] + p["fn_b"], axis=1)  # [B, FN]

    return vis_node_att, vis_rel_att, sem_node_att, sem_rel_att, fact_node_att

if __name__ == "__main__":
    import jax
    _d = setup_inputs()
    print(jax.jit(kernel)(*tuple(_d.values())))

</pallas_src>

<mosaic_0001>
#map = affine_map<(d0, d1) -> (0, 0)>
#map1 = affine_map<(d0, d1) -> (0)>
module attributes {stable_mosaic.version = 14 : i64} {
  func.func @gather_k(%arg0: i32, %arg1: i32, %arg2: memref<20000x384xf32, #tpu.memory_space<hbm>>, %arg3: memref<768xi32, #tpu.memory_space<hbm>>, %arg4: memref<768x384xf32, #tpu.memory_space<hbm>>, %arg5: memref<24xi32, #tpu.memory_space<vmem>>, %arg6: memref<24x384xf32, #tpu.memory_space<vmem>>, %arg7: memref<!tpu.dma_semaphore, #tpu.memory_space<semaphore_mem>>) attributes {dimension_semantics = [#tpu.dimension_semantics<core_parallel>, #tpu.dimension_semantics<subcore_parallel>], iteration_bounds = array<i64: 2, 16>, scalar_prefetch = 0 : i64, scratch_operands = 3 : i64, tpu.core_type = #tpu.core_type<sc_vector_subcore>, window_params = [{transform_indices = #map}, {transform_indices = #map1}, {transform_indices = #map}]} {
    %mul3A = arith.constant 2 : i32
    %mul3A_0 = arith.muli %arg1, %mul3A : i32
    %add3A = arith.addi %mul3A_0, %arg0 : i32
    %mul3A_1 = arith.constant 24 : i32
    %mul3A_2 = arith.muli %add3A, %mul3A_1 : i32
    "tpu.region"() ({
      %run_scoped3A = tpu.sem_alloc : memref<!tpu.dma_semaphore, #tpu.memory_space<semaphore_mem>>
      %dma_start3A_7 = tpu.memref_slice %arg3[%mul3A_2] : memref<768xi32, #tpu.memory_space<hbm>> -> memref<24xi32, #tpu.memory_space<hbm>>
      %dma_start3A_8 = tpu.memref_slice %arg3[%mul3A_2] : memref<768xi32, #tpu.memory_space<hbm>> -> memref<24xi32, #tpu.memory_space<hbm>>
      tpu.enqueue_dma source(%dma_start3A_8 : memref<24xi32, #tpu.memory_space<hbm>>) target(%arg5 : memref<24xi32, #tpu.memory_space<vmem>>) target_semaphore(%run_scoped3A : memref<!tpu.dma_semaphore, #tpu.memory_space<semaphore_mem>>)
      %dma_wait3A_9 = tpu.memref_slice %arg3[%mul3A_2] : memref<768xi32, #tpu.memory_space<hbm>> -> memref<24xi32, #tpu.memory_space<hbm>>
      %dma_wait3A_10 = tpu.memref_slice %arg3[%mul3A_2] : memref<768xi32, #tpu.memory_space<hbm>> -> memref<24xi32, #tpu.memory_space<hbm>>
      tpu.wait_dma2 semaphore(%run_scoped3A : memref<!tpu.dma_semaphore, #tpu.memory_space<semaphore_mem>>) src(%dma_wait3A_10 : memref<24xi32, #tpu.memory_space<hbm>>) dst(%arg5 : memref<24xi32, #tpu.memory_space<vmem>>)
      tpu.yield
    }) : () -> ()
    %dma_start3A = arith.constant 0 : i32
    %dma_start3A_3 = arith.constant 0 : i32
    %dma_start3A_4 = tpu.memref_slice %arg2[%dma_start3A, %dma_start3A_3] : memref<20000x384xf32, #tpu.memory_space<hbm>> -> memref<20000x384xf32, #tpu.memory_space<hbm>>
    tpu.enqueue_indirect_dma source(%dma_start3A_4 : memref<20000x384xf32, #tpu.memory_space<hbm>>) target(%arg6 : memref<24x384xf32, #tpu.memory_space<vmem>>) offsets(%arg5 : memref<24xi32, #tpu.memory_space<vmem>>) semaphore(%arg7 : memref<!tpu.dma_semaphore, #tpu.memory_space<semaphore_mem>>)
    %dma_wait3A = arith.constant 0 : i32
    %dma_wait3A_5 = arith.constant 0 : i32
    %dma_wait3A_6 = tpu.memref_slice %arg2[%dma_wait3A, %dma_wait3A_5] : memref<20000x384xf32, #tpu.memory_space<hbm>> -> memref<20000x384xf32, #tpu.memory_space<hbm>>
    tpu.wait_indirect_dma semaphore(%arg7 : memref<!tpu.dma_semaphore, #tpu.memory_space<semaphore_mem>>) src(%dma_wait3A_6 : memref<20000x384xf32, #tpu.memory_space<hbm>>) dst(%arg6 : memref<24x384xf32, #tpu.memory_space<vmem>>)
    "tpu.region"() ({
      %run_scoped3A = tpu.sem_alloc : memref<!tpu.dma_semaphore, #tpu.memory_space<semaphore_mem>>
      %dma_start3A_7 = arith.constant 0 : i32
      %dma_start3A_8 = tpu.memref_slice %arg4[%mul3A_2, %dma_start3A_7] : memref<768x384xf32, #tpu.memory_space<hbm>> -> memref<24x384xf32, #tpu.memory_space<hbm>>
      %dma_start3A_9 = arith.constant 0 : i32
      %dma_start3A_10 = tpu.memref_slice %arg4[%mul3A_2, %dma_start3A_9] : memref<768x384xf32, #tpu.memory_space<hbm>> -> memref<24x384xf32, #tpu.memory_space<hbm>>
      tpu.enqueue_dma source(%arg6 : memref<24x384xf32, #tpu.memory_space<vmem>>) target(%dma_start3A_10 : memref<24x384xf32, #tpu.memory_space<hbm>>) target_semaphore(%run_scoped3A : memref<!tpu.dma_semaphore, #tpu.memory_space<semaphore_mem>>)
      %dma_wait3A_11 = arith.constant 0 : i32
      %dma_wait3A_12 = tpu.memref_slice %arg4[%mul3A_2, %dma_wait3A_11] : memref<768x384xf32, #tpu.memory_space<hbm>> -> memref<24x384xf32, #tpu.memory_space<hbm>>
      %dma_wait3A_13 = arith.constant 0 : i32
      %dma_wait3A_14 = tpu.memref_slice %arg4[%mul3A_2, %dma_wait3A_13] : memref<768x384xf32, #tpu.memory_space<hbm>> -> memref<24x384xf32, #tpu.memory_space<hbm>>
      tpu.wait_dma2 semaphore(%run_scoped3A : memref<!tpu.dma_semaphore, #tpu.memory_space<semaphore_mem>>) src(%arg6 : memref<24x384xf32, #tpu.memory_space<vmem>>) dst(%dma_wait3A_14 : memref<24x384xf32, #tpu.memory_space<hbm>>)
      tpu.yield
    }) : () -> ()
    return
  }
}

module attributes {stable_mosaic.version = 14 : i64} {
  func.func @_mm_t_body(%arg0: i32, %arg1: memref<128x1024xf32, #tpu.memory_space<vmem>>, %arg2: memref<512x1024xf32, #tpu.memory_space<vmem>>, %arg3: memref<1x512xf32, #tpu.memory_space<vmem>>, %arg4: memref<128x512xf32, #tpu.memory_space<vmem>>) attributes {dimension_semantics = [#tpu.dimension_semantics<arbitrary>], iteration_bounds = array<i64: 25>, scalar_prefetch = 0 : i64, scratch_operands = 0 : i64, tpu.core_type = #tpu.core_type<tc>, window_params = [{transform_indices = @transform_0, window_bounds = array<i64: 128, 1024>}, {pipeline_mode = #tpu.pipeline_mode<synchronous>, transform_indices = @transform_1, window_bounds = array<i64: 512, 1024>}, {pipeline_mode = #tpu.pipeline_mode<synchronous>, transform_indices = @transform_2, window_bounds = array<i64: 1, 512>}, {transform_indices = @transform_3, window_bounds = array<i64: 128, 512>}]} {
    %get3A = arith.constant 0 : index
    %get3A_0 = arith.constant 0 : index
    %get3A_1 = vector.load %arg1[%get3A, %get3A_0] : memref<128x1024xf32, #tpu.memory_space<vmem>>, vector<128x1024xf32>
    %convert_element_type3A = arith.truncf %get3A_1 : vector<128x1024xf32> to vector<128x1024xbf16>
    %get3A_2 = arith.constant 0 : index
    %get3A_3 = arith.constant 0 : index
    %get3A_4 = vector.load %arg2[%get3A_2, %get3A_3] : memref<512x1024xf32, #tpu.memory_space<vmem>>, vector<512x1024xf32>
    %convert_element_type3A_5 = arith.truncf %get3A_4 : vector<512x1024xf32> to vector<512x1024xbf16>
    %dot_general3A = arith.constant dense<0.000000e+00> : vector<128x512xf32>
    %dot_general3A_6 = tpu.matmul %convert_element_type3A, %convert_element_type3A_5, %dot_general3A {dimension_numbers = #tpu.dot_dimension_numbers<[1], [1], [0], [0], [0, 0, 1, 0], [], []>, transpose_lhs_hint = false} : vector<128x1024xbf16>, vector<512x1024xbf16>, vector<128x512xf32> -> vector<128x512xf32>
    %get3A_7 = arith.constant 0 : index
    %get3A_8 = arith.constant 0 : index
    %get3A_9 = vector.load %arg3[%get3A_7, %get3A_8] : memref<1x512xf32, #tpu.memory_space<vmem>>, vector<1x512xf32>
    %add3A = vector.broadcast %get3A_9 : vector<1x512xf32> to vector<128x512xf32>
    %add3A_10 = arith.addf %dot_general3A_6, %add3A : vector<128x512xf32>
    %swap3A = arith.constant 0 : index
    %swap3A_11 = arith.constant 0 : index
    %swap3A_12 = vector.load %arg4[%swap3A, %swap3A_11] : memref<128x512xf32, #tpu.memory_space<vmem>>, vector<128x512xf32>
    tpu.vector_store %arg4[%swap3A, %swap3A_11], %add3A_10 {strides = array<i32>} : memref<128x512xf32, #tpu.memory_space<vmem>>, vector<128x512xf32>,
    return
  }
  func.func @transform_0(%arg0: i32) -> (i32, i32) {
    %c0_i32 = arith.constant 0 : i32
    %c0_i32_0 = arith.constant 0 : i32
    return %arg0, %c0_i32 : i32, i32
  }
  func.func @transform_1(%arg0: i32) -> (i32, i32) {
    %c0_i32 = arith.constant 0 : i32
    %c0_i32_0 = arith.constant 0 : i32
    %c0_i32_1 = arith.constant 0 : i32
    return %c0_i32, %c0_i32_0 : i32, i32
  }
  func.func @transform_2(%arg0: i32) -> (i32, i32) {
    %c0_i32 = arith.constant 0 : i32
    %c0_i32_0 = arith.constant 0 : i32
    %c0_i32_1 = arith.constant 0 : i32
    return %c0_i32, %c0_i32_0 : i32, i32
  }
  func.func @transform_3(%arg0: i32) -> (i32, i32) {
    %c0_i32 = arith.constant 0 : i32
    %c0_i32_0 = arith.constant 0 : i32
    return %arg0, %c0_i32 : i32, i32
  }
}

module attributes {stable_mosaic.version = 14 : i64} {
  func.func @_pad_body(%arg0: i32, %arg1: memref<300x512xf32, #tpu.memory_space<vmem>>, %arg2: memref<512x384xf32, #tpu.memory_space<vmem>>) attributes {dimension_semantics = [#tpu.dimension_semantics<arbitrary>], iteration_bounds = array<i64: 40>, scalar_prefetch = 0 : i64, scratch_operands = 0 : i64, tpu.core_type = #tpu.core_type<tc>, window_params = [{transform_indices = @transform_0, window_bounds = array<i64: 300, 512>}, {transform_indices = @transform_1, window_bounds = array<i64: 512, 384>}]} {
    %get3A = arith.constant 0 : index
    %get3A_0 = arith.constant 0 : index
    %get3A_1 = vector.load %arg1[%get3A, %get3A_0] : memref<300x512xf32, #tpu.memory_space<vmem>>, vector<300x512xf32>
    %transpose3A = tpu.transpose %get3A_1, [1, 0] : vector<300x512xf32> -> vector<512x300xf32>
    %broadcast_in_dim3A = arith.constant 0.000000e+00 : f32
    %broadcast_in_dim3A_2 = vector.broadcast %broadcast_in_dim3A : f32 to vector<512x84xf32>
    %concatenate3A = tpu.concatenate %transpose3A, %broadcast_in_dim3A_2 in 1 : vector<512x300xf32>, vector<512x84xf32> -> vector<512x384xf32>
    %swap3A = arith.constant 0 : index
    %swap3A_3 = arith.constant 0 : index
    %swap3A_4 = vector.load %arg2[%swap3A, %swap3A_3] : memref<512x384xf32, #tpu.memory_space<vmem>>, vector<512x384xf32>
    tpu.vector_store %arg2[%swap3A, %swap3A_3], %concatenate3A {strides = array<i32>} : memref<512x384xf32, #tpu.memory_space<vmem>>, vector<512x384xf32>,
    return
  }
  func.func @transform_0(%arg0: i32) -> (i32, i32) {
    %c0_i32 = arith.constant 0 : i32
    %c0_i32_0 = arith.constant 0 : i32
    return %c0_i32, %arg0 : i32, i32
  }
  func.func @transform_1(%arg0: i32) -> (i32, i32) {
    %c0_i32 = arith.constant 0 : i32
    %c0_i32_0 = arith.constant 0 : i32
    return %arg0, %c0_i32 : i32, i32
  }
}

module attributes {stable_mosaic.version = 14 : i64} {
  func.func @_mm_n_body(%arg0: i32, %arg1: memref<128x300xf32, #tpu.memory_space<vmem>>, %arg2: memref<300x512xf32, #tpu.memory_space<vmem>>, %arg3: memref<1x512xf32, #tpu.memory_space<vmem>>, %arg4: memref<128x512xf32, #tpu.memory_space<vmem>>) attributes {dimension_semantics = [#tpu.dimension_semantics<arbitrary>], iteration_bounds = array<i64: 15>, scalar_prefetch = 0 : i64, scratch_operands = 0 : i64, tpu.core_type = #tpu.core_type<tc>, window_params = [{transform_indices = @transform_0, window_bounds = array<i64: 128, 300>}, {pipeline_mode = #tpu.pipeline_mode<synchronous>, transform_indices = @transform_1, window_bounds = array<i64: 300, 512>}, {pipeline_mode = #tpu.pipeline_mode<synchronous>, transform_indices = @transform_2, window_bounds = array<i64: 1, 512>}, {transform_indices = @transform_3, window_bounds = array<i64: 128, 512>}]} {
    %get3A = arith.constant 0 : index
    %get3A_0 = arith.constant 0 : index
    %get3A_1 = vector.load %arg1[%get3A, %get3A_0] : memref<128x300xf32, #tpu.memory_space<vmem>>, vector<128x300xf32>
    %convert_element_type3A = arith.truncf %get3A_1 : vector<128x300xf32> to vector<128x300xbf16>
    %get3A_2 = arith.constant 0 : index
    %get3A_3 = arith.constant 0 : index
    %get3A_4 = vector.load %arg2[%get3A_2, %get3A_3] : memref<300x512xf32, #tpu.memory_space<vmem>>, vector<300x512xf32>
    %convert_element_type3A_5 = arith.truncf %get3A_4 : vector<300x512xf32> to vector<300x512xbf16>
    %dot_general3A = arith.constant dense<0.000000e+00> : vector<128x512xf32>
    %dot_general3A_6 = tpu.matmul %convert_element_type3A, %convert_element_type3A_5, %dot_general3A {dimension_numbers = #tpu.dot_dimension_numbers<[1], [0], [0], [1], [0, 0, 1, 1], [], []>, transpose_lhs_hint = false} : vector<128x300xbf16>, vector<300x512xbf16>, vector<128x512xf32> -> vector<128x512xf32>
    %get3A_7 = arith.constant 0 : index
    %get3A_8 = arith.constant 0 : index
    %get3A_9 = vector.load %arg3[%get3A_7, %get3A_8] : memref<1x512xf32, #tpu.memory_space<vmem>>, vector<1x512xf32>
    %add3A = vector.broadcast %get3A_9 : vector<1x512xf32> to vector<128x512xf32>
    %add3A_10 = arith.addf %dot_general3A_6, %add3A : vector<128x512xf32>
    %swap3A = arith.constant 0 : index
    %swap3A_11 = arith.constant 0 : index
    %swap3A_12 = vector.load %arg4[%swap3A, %swap3A_11] : memref<128x512xf32, #tpu.memory_space<vmem>>, vector<128x512xf32>
    tpu.vector_store %arg4[%swap3A, %swap3A_11], %add3A_10 {strides = array<i32>} : memref<128x512xf32, #tpu.memory_space<vmem>>, vector<128x512xf32>,
    return
  }
  func.func @transform_0(%arg0: i32) -> (i32, i32) {
    %c0_i32 = arith.constant 0 : i32
    %c0_i32_0 = arith.constant 0 : i32
    return %arg0, %c0_i32 : i32, i32
  }
  func.func @transform_1(%arg0: i32) -> (i32, i32) {
    %c0_i32 = arith.constant 0 : i32
    %c0_i32_0 = arith.constant 0 : i32
    %c0_i32_1 = arith.constant 0 : i32
    return %c0_i32, %c0_i32_0 : i32, i32
  }
  func.func @transform_2(%arg0: i32) -> (i32, i32) {
    %c0_i32 = arith.constant 0 : i32
    %c0_i32_0 = arith.constant 0 : i32
    %c0_i32_1 = arith.constant 0 : i32
    return %c0_i32, %c0_i32_0 : i32, i32
  }
  func.func @transform_3(%arg0: i32) -> (i32, i32) {
    %c0_i32 = arith.constant 0 : i32
    %c0_i32_0 = arith.constant 0 : i32
    return %arg0, %c0_i32 : i32, i32
  }
}

module attributes {stable_mosaic.version = 14 : i64} {
  func.func @_mm_t_body(%arg0: i32, %arg1: memref<128x2048xf32, #tpu.memory_space<vmem>>, %arg2: memref<1024x2048xf32, #tpu.memory_space<vmem>>, %arg3: memref<1x1024xf32, #tpu.memory_space<vmem>>, %arg4: memref<128x1024xf32, #tpu.memory_space<vmem>>) attributes {dimension_semantics = [#tpu.dimension_semantics<arbitrary>], iteration_bounds = array<i64: 9>, scalar_prefetch = 0 : i64, scratch_operands = 0 : i64, tpu.core_type = #tpu.core_type<tc>, window_params = [{transform_indices = @transform_0, window_bounds = array<i64: 128, 2048>}, {pipeline_mode = #tpu.pipeline_mode<synchronous>, transform_indices = @transform_1, window_bounds = array<i64: 1024, 2048>}, {pipeline_mode = #tpu.pipeline_mode<synchronous>, transform_indices = @transform_2, window_bounds = array<i64: 1, 1024>}, {transform_indices = @transform_3, window_bounds = array<i64: 128, 1024>}]} {
    %get3A = arith.constant 0 : index
    %get3A_0 = arith.constant 0 : index
    %get3A_1 = vector.load %arg1[%get3A, %get3A_0] : memref<128x2048xf32, #tpu.memory_space<vmem>>, vector<128x2048xf32>
    %convert_element_type3A = arith.truncf %get3A_1 : vector<128x2048xf32> to vector<128x2048xbf16>
    %get3A_2 = arith.constant 0 : index
    %get3A_3 = arith.constant 0 : index
    %get3A_4 = vector.load %arg2[%get3A_2, %get3A_3] : memref<1024x2048xf32, #tpu.memory_space<vmem>>, vector<1024x2048xf32>
    %convert_element_type3A_5 = arith.truncf %get3A_4 : vector<1024x2048xf32> to vector<1024x2048xbf16>
    %dot_general3A = arith.constant dense<0.000000e+00> : vector<128x1024xf32>
    %dot_general3A_6 = tpu.matmul %convert_element_type3A, %convert_element_type3A_5, %dot_general3A {dimension_numbers = #tpu.dot_dimension_numbers<[1], [1], [0], [0], [0, 0, 1, 0], [], []>, transpose_lhs_hint = false} : vector<128x2048xbf16>, vector<1024x2048xbf16>, vector<128x1024xf32> -> vector<128x1024xf32>
    %get3A_7 = arith.constant 0 : index
    %get3A_8 = arith.constant 0 : index
    %get3A_9 = vector.load %arg3[%get3A_7, %get3A_8] : memref<1x1024xf32, #tpu.memory_space<vmem>>, vector<1x1024xf32>
    %add3A = vector.broadcast %get3A_9 : vector<1x1024xf32> to vector<128x1024xf32>
    %add3A_10 = arith.addf %dot_general3A_6, %add3A : vector<128x1024xf32>
    %swap3A = arith.constant 0 : index
    %swap3A_11 = arith.constant 0 : index
    %swap3A_12 = vector.load %arg4[%swap3A, %swap3A_11] : memref<128x1024xf32, #tpu.memory_space<vmem>>, vector<128x1024xf32>
    tpu.vector_store %arg4[%swap3A, %swap3A_11], %add3A_10 {strides = array<i32>} : memref<128x1024xf32, #tpu.memory_space<vmem>>, vector<128x1024xf32>,
    return
  }
  func.func @transform_0(%arg0: i32) -> (i32, i32) {
    %c0_i32 = arith.constant 0 : i32
    %c0_i32_0 = arith.constant 0 : i32
    return %arg0, %c0_i32 : i32, i32
  }
  func.func @transform_1(%arg0: i32) -> (i32, i32) {
    %c0_i32 = arith.constant 0 : i32
    %c0_i32_0 = arith.constant 0 : i32
    %c0_i32_1 = arith.constant 0 : i32
    return %c0_i32, %c0_i32_0 : i32, i32
  }
  func.func @transform_2(%arg0: i32) -> (i32, i32) {
    %c0_i32 = arith.constant 0 : i32
    %c0_i32_0 = arith.constant 0 : i32
    %c0_i32_1 = arith.constant 0 : i32
    return %c0_i32, %c0_i32_0 : i32, i32
  }
  func.func @transform_3(%arg0: i32) -> (i32, i32) {
    %c0_i32 = arith.constant 0 : i32
    %c0_i32_0 = arith.constant 0 : i32
    return %arg0, %c0_i32 : i32, i32
  }
}

module attributes {stable_mosaic.version = 14 : i64} {
  func.func @_mm_n_body(%arg0: i32, %arg1: memref<128x300xf32, #tpu.memory_space<vmem>>, %arg2: memref<300x512xf32, #tpu.memory_space<vmem>>, %arg3: memref<1x512xf32, #tpu.memory_space<vmem>>, %arg4: memref<128x512xf32, #tpu.memory_space<vmem>>) attributes {dimension_semantics = [#tpu.dimension_semantics<arbitrary>], iteration_bounds = array<i64: 10>, scalar_prefetch = 0 : i64, scratch_operands = 0 : i64, tpu.core_type = #tpu.core_type<tc>, window_params = [{transform_indices = @transform_0, window_bounds = array<i64: 128, 300>}, {pipeline_mode = #tpu.pipeline_mode<synchronous>, transform_indices = @transform_1, window_bounds = array<i64: 300, 512>}, {pipeline_mode = #tpu.pipeline_mode<synchronous>, transform_indices = @transform_2, window_bounds = array<i64: 1, 512>}, {transform_indices = @transform_3, window_bounds = array<i64: 128, 512>}]} {
    %get3A = arith.constant 0 : index
    %get3A_0 = arith.constant 0 : index
    %get3A_1 = vector.load %arg1[%get3A, %get3A_0] : memref<128x300xf32, #tpu.memory_space<vmem>>, vector<128x300xf32>
    %convert_element_type3A = arith.truncf %get3A_1 : vector<128x300xf32> to vector<128x300xbf16>
    %get3A_2 = arith.constant 0 : index
    %get3A_3 = arith.constant 0 : index
    %get3A_4 = vector.load %arg2[%get3A_2, %get3A_3] : memref<300x512xf32, #tpu.memory_space<vmem>>, vector<300x512xf32>
    %convert_element_type3A_5 = arith.truncf %get3A_4 : vector<300x512xf32> to vector<300x512xbf16>
    %dot_general3A = arith.constant dense<0.000000e+00> : vector<128x512xf32>
    %dot_general3A_6 = tpu.matmul %convert_element_type3A, %convert_element_type3A_5, %dot_general3A {dimension_numbers = #tpu.dot_dimension_numbers<[1], [0], [0], [1], [0, 0, 1, 1], [], []>, transpose_lhs_hint = false} : vector<128x300xbf16>, vector<300x512xbf16>, vector<128x512xf32> -> vector<128x512xf32>
    %get3A_7 = arith.constant 0 : index
    %get3A_8 = arith.constant 0 : index
    %get3A_9 = vector.load %arg3[%get3A_7, %get3A_8] : memref<1x512xf32, #tpu.memory_space<vmem>>, vector<1x512xf32>
    %add3A = vector.broadcast %get3A_9 : vector<1x512xf32> to vector<128x512xf32>
    %add3A_10 = arith.addf %dot_general3A_6, %add3A : vector<128x512xf32>
    %swap3A = arith.constant 0 : index
    %swap3A_11 = arith.constant 0 : index
    %swap3A_12 = vector.load %arg4[%swap3A, %swap3A_11] : memref<128x512xf32, #tpu.memory_space<vmem>>, vector<128x512xf32>
    tpu.vector_store %arg4[%swap3A, %swap3A_11], %add3A_10 {strides = array<i32>} : memref<128x512xf32, #tpu.memory_space<vmem>>, vector<128x512xf32>,
    return
  }
  func.func @transform_0(%arg0: i32) -> (i32, i32) {
    %c0_i32 = arith.constant 0 : i32
    %c0_i32_0 = arith.constant 0 : i32
    return %arg0, %c0_i32 : i32, i32
  }
  func.func @transform_1(%arg0: i32) -> (i32, i32) {
    %c0_i32 = arith.constant 0 : i32
    %c0_i32_0 = arith.constant 0 : i32
    %c0_i32_1 = arith.constant 0 : i32
    return %c0_i32, %c0_i32_0 : i32, i32
  }
  func.func @transform_2(%arg0: i32) -> (i32, i32) {
    %c0_i32 = arith.constant 0 : i32
    %c0_i32_0 = arith.constant 0 : i32
    %c0_i32_1 = arith.constant 0 : i32
    return %c0_i32, %c0_i32_0 : i32, i32
  }
  func.func @transform_3(%arg0: i32) -> (i32, i32) {
    %c0_i32 = arith.constant 0 : i32
    %c0_i32_0 = arith.constant 0 : i32
    return %arg0, %c0_i32 : i32, i32
  }
}

module attributes {stable_mosaic.version = 14 : i64} {
  func.func @_lstm_body(%arg0: memref<768x384xf32, #tpu.memory_space<vmem>>, %arg1: memref<300x2048xf32, #tpu.memory_space<vmem>>, %arg2: memref<2048x512xf32, #tpu.memory_space<vmem>>, %arg3: memref<1x2048xf32, #tpu.memory_space<vmem>>, %arg4: memref<32x128xi32, #tpu.memory_space<vmem>>, %arg5: memref<1024x512xf32, #tpu.memory_space<vmem>>, %arg6: memref<1x1024xf32, #tpu.memory_space<vmem>>, %arg7: memref<512x512xf32, #tpu.memory_space<vmem>>, %arg8: memref<1x512xf32, #tpu.memory_space<vmem>>, %arg9: memref<512x512xf32, #tpu.memory_space<vmem>>, %arg10: memref<1x512xf32, #tpu.memory_space<vmem>>, %arg11: memref<512x512xf32, #tpu.memory_space<vmem>>, %arg12: memref<1x512xf32, #tpu.memory_space<vmem>>, %arg13: memref<512x512xf32, #tpu.memory_space<vmem>>, %arg14: memref<1x512xf32, #tpu.memory_space<vmem>>, %arg15: memref<32x1024xf32, #tpu.memory_space<vmem>>, %arg16: memref<32x512xf32, #tpu.memory_space<vmem>>, %arg17: memref<32x512xf32, #tpu.memory_space<vmem>>, %arg18: memref<32x512xf32, #tpu.memory_space<vmem>>, %arg19: memref<32x512xf32, #tpu.memory_space<vmem>>, %arg20: memref<640x2048xf32, #tpu.memory_space<vmem>>) attributes {dimension_semantics = [], scalar_prefetch = 0 : i64, scratch_operands = 1 : i64, tpu.core_type = #tpu.core_type<tc>} {
    %get3A = arith.constant 0 : index
    %get3A_0 = arith.constant 0 : index
    %get3A_1 = vector.load %arg0[%get3A, %get3A_0] : memref<768x384xf32, #tpu.memory_space<vmem>>, vector<640x300xf32>
    %get3A_2 = arith.constant 0 : index
    %get3A_3 = arith.constant 0 : index
    %get3A_4 = vector.load %arg1[%get3A_2, %get3A_3] : memref<300x2048xf32, #tpu.memory_space<vmem>>, vector<300x2048xf32>
    %dot_general3A = arith.constant dense<0.000000e+00> : vector<640x2048xf32>
    %dot_general3A_5 = tpu.matmul %get3A_1, %get3A_4, %dot_general3A {dimension_numbers = #tpu.dot_dimension_numbers<[1], [0], [0], [1], [0, 0, 1, 1], [], []>, transpose_lhs_hint = false} : vector<640x300xf32>, vector<300x2048xf32>, vector<640x2048xf32> -> vector<640x2048xf32>
    %get3A_6 = arith.constant 0 : index
    %get3A_7 = arith.constant 0 : index
    %get3A_8 = vector.load %arg3[%get3A_6, %get3A_7] : memref<1x2048xf32, #tpu.memory_space<vmem>>, vector<1x2048xf32>
    %add3A = vector.broadcast %get3A_8 : vector<1x2048xf32> to vector<640x2048xf32>
    %add3A_9 = arith.addf %dot_general3A_5, %add3A : vector<640x2048xf32>
    %swap3A = arith.constant 0 : index
    %swap3A_10 = arith.constant 0 : index
    %swap3A_11 = vector.load %arg20[%swap3A, %swap3A_10] : memref<640x2048xf32, #tpu.memory_space<vmem>>, vector<640x2048xf32>
    tpu.vector_store %arg20[%swap3A, %swap3A_10], %add3A_9 {strides = array<i32>} : memref<640x2048xf32, #tpu.memory_space<vmem>>, vector<640x2048xf32>,
    %broadcast_in_dim3A = arith.constant 0.000000e+00 : f32
    %broadcast_in_dim3A_12 = vector.broadcast %broadcast_in_dim3A : f32 to vector<32x512xf32>
    %scan3A = arith.constant 0 : i32
    %scan3A_13 = arith.constant 20 : i32
    %scan3A_14 = arith.addi %scan3A, %scan3A_13 : i32
    %scan3A_15 = arith.constant 1 : i32
    %scan3A_16:3 = scf.for %scan3A_83 = %scan3A to %scan3A_14 step %scan3A_15 iter_args(%scan3A_84 = %broadcast_in_dim3A_12, %scan3A_85 = %broadcast_in_dim3A_12, %scan3A_86 = %broadcast_in_dim3A_12) -> (vector<32x512xf32>, vector<32x512xf32>, vector<32x512xf32>)  : i32 {
      %mul3A = arith.constant 32 : i32
      %mul3A_87 = arith.muli %scan3A_83, %mul3A : i32
      %get3A_88 = arith.index_cast %mul3A_87 : i32 to index
      %get3A_89 = arith.constant 0 : index
      %get3A_90 = vector.load %arg20[%get3A_88, %get3A_89] : memref<640x2048xf32, #tpu.memory_space<vmem>>, vector<32x2048xf32>
      %get3A_91 = arith.constant 0 : index
      %get3A_92 = arith.constant 0 : index
      %get3A_93 = vector.load %arg2[%get3A_91, %get3A_92] : memref<2048x512xf32, #tpu.memory_space<vmem>>, vector<2048x512xf32>
      %dot_general3A_94 = arith.constant dense<0.000000e+00> : vector<32x2048xf32>
      %dot_general3A_95 = tpu.matmul %scan3A_84, %get3A_93, %dot_general3A_94 {dimension_numbers = #tpu.dot_dimension_numbers<[1], [1], [0], [0], [0, 0, 1, 0], [], []>, transpose_lhs_hint = false} : vector<32x512xf32>, vector<2048x512xf32>, vector<32x2048xf32> -> vector<32x2048xf32>
      %add3A_96 = arith.addf %get3A_90, %dot_general3A_95 : vector<32x2048xf32>
      %slice3A = vector.extract_strided_slice %add3A_96 {offsets = [0, 0], sizes = [32, 512], strides = [1, 1]} : vector<32x2048xf32> to vector<32x512xf32>
      %logistic3A = arith.negf %slice3A : vector<32x512xf32>
      %logistic3A_97 = math.exp %logistic3A : vector<32x512xf32>
      %logistic3A_98 = arith.constant 1.000000e+00 : f32
      %logistic3A_99 = vector.broadcast %logistic3A_98 : f32 to vector<32x512xf32>
      %logistic3A_100 = arith.addf %logistic3A_99, %logistic3A_97 : vector<32x512xf32>
      %logistic3A_101 = arith.divf %logistic3A_99, %logistic3A_100 : vector<32x512xf32>
      %slice3A_102 = vector.extract_strided_slice %add3A_96 {offsets = [0, 512], sizes = [32, 512], strides = [1, 1]} : vector<32x2048xf32> to vector<32x512xf32>
      %logistic3A_103 = arith.negf %slice3A_102 : vector<32x512xf32>
      %logistic3A_104 = math.exp %logistic3A_103 : vector<32x512xf32>
      %logistic3A_105 = arith.constant 1.000000e+00 : f32
      %logistic3A_106 = vector.broadcast %logistic3A_105 : f32 to vector<32x512xf32>
      %logistic3A_107 = arith.addf %logistic3A_106, %logistic3A_104 : vector<32x512xf32>
      %logistic3A_108 = arith.divf %logistic3A_106, %logistic3A_107 : vector<32x512xf32>
      %slice3A_109 = vector.extract_strided_slice %add3A_96 {offsets = [0, 1024], sizes = [32, 512], strides = [1, 1]} : vector<32x2048xf32> to vector<32x512xf32>
      %tanh3A = math.tanh %slice3A_109 : vector<32x512xf32>
      %slice3A_110 = vector.extract_strided_slice %add3A_96 {offsets = [0, 1536], sizes = [32, 512], strides = [1, 1]} : vector<32x2048xf32> to vector<32x512xf32>
      %logistic3A_111 = arith.negf %slice3A_110 : vector<32x512xf32>
      %logistic3A_112 = math.exp %logistic3A_111 : vector<32x512xf32>
      %logistic3A_113 = arith.constant 1.000000e+00 : f32
      %logistic3A_114 = vector.broadcast %logistic3A_113 : f32 to vector<32x512xf32>
      %logistic3A_115 = arith.addf %logistic3A_114, %logistic3A_112 : vector<32x512xf32>
      %logistic3A_116 = arith.divf %logistic3A_114, %logistic3A_115 : vector<32x512xf32>
      %mul3A_117 = arith.mulf %logistic3A_108, %scan3A_85 : vector<32x512xf32>
      %mul3A_118 = arith.mulf %logistic3A_101, %tanh3A : vector<32x512xf32>
      %add3A_119 = arith.addf %mul3A_117, %mul3A_118 : vector<32x512xf32>
      %tanh3A_120 = math.tanh %add3A_119 : vector<32x512xf32>
      %mul3A_121 = arith.mulf %logistic3A_116, %tanh3A_120 : vector<32x512xf32>
      %get3A_122 = arith.constant 0 : index
      %get3A_123 = arith.constant 0 : index
      %get3A_124 = vector.load %arg4[%get3A_122, %get3A_123] : memref<32x128xi32, #tpu.memory_space<vmem>>, vector<32x1xi32>
      %sub3A = arith.constant 1 : i32
      %sub3A_125 = vector.broadcast %sub3A : i32 to vector<32x1xi32>
      %sub3A_126 = arith.subi %get3A_124, %sub3A_125 : vector<32x1xi32>
      %eq3A = vector.broadcast %scan3A_83 : i32 to vector<32x1xi32>
      %eq3A_127 = arith.cmpi eq, %sub3A_126, %eq3A : vector<32x1xi32>
      %broadcast_in_dim3A_128 = vector.shape_cast %eq3A_127 : vector<32x1xi1> to vector<32x1xi1>
      %broadcast_in_dim3A_129 = vector.broadcast %broadcast_in_dim3A_128 : vector<32x1xi1> to vector<32x512xi1>
      %select_n3A = arith.select %broadcast_in_dim3A_129, %mul3A_121, %scan3A_86 : vector<32x512xi1>, vector<32x512xf32>
      scf.yield %mul3A_121, %add3A_119, %select_n3A : vector<32x512xf32>, vector<32x512xf32>, vector<32x512xf32>
    }
    %scan3A_17 = arith.constant 20 : i32
    %get3A_18 = arith.constant 0 : index
    %get3A_19 = arith.constant 0 : index
    %get3A_20 = vector.load %arg5[%get3A_18, %get3A_19] : memref<1024x512xf32, #tpu.memory_space<vmem>>, vector<1024x512xf32>
    %dot_general3A_21 = arith.constant dense<0.000000e+00> : vector<32x1024xf32>
    %dot_general3A_22 = tpu.matmul %scan3A_16#2, %get3A_20, %dot_general3A_21 {dimension_numbers = #tpu.dot_dimension_numbers<[1], [1], [0], [0], [0, 0, 1, 0], [], []>, transpose_lhs_hint = false} : vector<32x512xf32>, vector<1024x512xf32>, vector<32x1024xf32> -> vector<32x1024xf32>
    %get3A_23 = arith.constant 0 : index
    %get3A_24 = arith.constant 0 : index
    %get3A_25 = vector.load %arg6[%get3A_23, %get3A_24] : memref<1x1024xf32, #tpu.memory_space<vmem>>, vector<1x1024xf32>
    %add3A_26 = vector.broadcast %get3A_25 : vector<1x1024xf32> to vector<32x1024xf32>
    %add3A_27 = arith.addf %dot_general3A_22, %add3A_26 : vector<32x1024xf32>
    %swap3A_28 = arith.constant 0 : index
    %swap3A_29 = arith.constant 0 : index
    %swap3A_30 = vector.load %arg15[%swap3A_28, %swap3A_29] : memref<32x1024xf32, #tpu.memory_space<vmem>>, vector<32x1024xf32>
    tpu.vector_store %arg15[%swap3A_28, %swap3A_29], %add3A_27 {strides = array<i32>} : memref<32x1024xf32, #tpu.memory_space<vmem>>, vector<32x1024xf32>,
    %get3A_31 = arith.constant 0 : index
    %get3A_32 = arith.constant 0 : index
    %get3A_33 = vector.load %arg7[%get3A_31, %get3A_32] : memref<512x512xf32, #tpu.memory_space<vmem>>, vector<512x512xf32>
    %dot_general3A_34 = arith.constant dense<0.000000e+00> : vector<32x512xf32>
    %dot_general3A_35 = tpu.matmul %scan3A_16#2, %get3A_33, %dot_general3A_34 {dimension_numbers = #tpu.dot_dimension_numbers<[1], [1], [0], [0], [0, 0, 1, 0], [], []>, transpose_lhs_hint = false} : vector<32x512xf32>, vector<512x512xf32>, vector<32x512xf32> -> vector<32x512xf32>
    %get3A_36 = arith.constant 0 : index
    %get3A_37 = arith.constant 0 : index
    %get3A_38 = vector.load %arg8[%get3A_36, %get3A_37] : memref<1x512xf32, #tpu.memory_space<vmem>>, vector<1x512xf32>
    %add3A_39 = vector.broadcast %get3A_38 : vector<1x512xf32> to vector<32x512xf32>
    %add3A_40 = arith.addf %dot_general3A_35, %add3A_39 : vector<32x512xf32>
    %swap3A_41 = arith.constant 0 : index
    %swap3A_42 = arith.constant 0 : index
    %swap3A_43 = vector.load %arg16[%swap3A_41, %swap3A_42] : memref<32x512xf32, #tpu.memory_space<vmem>>, vector<32x512xf32>
    tpu.vector_store %arg16[%swap3A_41, %swap3A_42], %add3A_40 {strides = array<i32>} : memref<32x512xf32, #tpu.memory_space<vmem>>, vector<32x512xf32>,
    %get3A_44 = arith.constant 0 : index
    %get3A_45 = arith.constant 0 : index
    %get3A_46 = vector.load %arg9[%get3A_44, %get3A_45] : memref<512x512xf32, #tpu.memory_space<vmem>>, vector<512x512xf32>
    %dot_general3A_47 = arith.constant dense<0.000000e+00> : vector<32x512xf32>
    %dot_general3A_48 = tpu.matmul %scan3A_16#2, %get3A_46, %dot_general3A_47 {dimension_numbers = #tpu.dot_dimension_numbers<[1], [1], [0], [0], [0, 0, 1, 0], [], []>, transpose_lhs_hint = false} : vector<32x512xf32>, vector<512x512xf32>, vector<32x512xf32> -> vector<32x512xf32>
    %get3A_49 = arith.constant 0 : index
    %get3A_50 = arith.constant 0 : index
    %get3A_51 = vector.load %arg10[%get3A_49, %get3A_50] : memref<1x512xf32, #tpu.memory_space<vmem>>, vector<1x512xf32>
    %add3A_52 = vector.broadcast %get3A_51 : vector<1x512xf32> to vector<32x512xf32>
    %add3A_53 = arith.addf %dot_general3A_48, %add3A_52 : vector<32x512xf32>
    %swap3A_54 = arith.constant 0 : index
    %swap3A_55 = arith.constant 0 : index
    %swap3A_56 = vector.load %arg17[%swap3A_54, %swap3A_55] : memref<32x512xf32, #tpu.memory_space<vmem>>, vector<32x512xf32>
    tpu.vector_store %arg17[%swap3A_54, %swap3A_55], %add3A_53 {strides = array<i32>} : memref<32x512xf32, #tpu.memory_space<vmem>>, vector<32x512xf32>,
    %get3A_57 = arith.constant 0 : index
    %get3A_58 = arith.constant 0 : index
    %get3A_59 = vector.load %arg11[%get3A_57, %get3A_58] : memref<512x512xf32, #tpu.memory_space<vmem>>, vector<512x512xf32>
    %dot_general3A_60 = arith.constant dense<0.000000e+00> : vector<32x512xf32>
    %dot_general3A_61 = tpu.matmul %scan3A_16#2, %get3A_59, %dot_general3A_60 {dimension_numbers = #tpu.dot_dimension_numbers<[1], [1], [0], [0], [0, 0, 1, 0], [], []>, transpose_lhs_hint = false} : vector<32x512xf32>, vector<512x512xf32>, vector<32x512xf32> -> vector<32x512xf32>
    %get3A_62 = arith.constant 0 : index
    %get3A_63 = arith.constant 0 : index
    %get3A_64 = vector.load %arg12[%get3A_62, %get3A_63] : memref<1x512xf32, #tpu.memory_space<vmem>>, vector<1x512xf32>
    %add3A_65 = vector.broadcast %get3A_64 : vector<1x512xf32> to vector<32x512xf32>
    %add3A_66 = arith.addf %dot_general3A_61, %add3A_65 : vector<32x512xf32>
    %swap3A_67 = arith.constant 0 : index
    %swap3A_68 = arith.constant 0 : index
    %swap3A_69 = vector.load %arg18[%swap3A_67, %swap3A_68] : memref<32x512xf32, #tpu.memory_space<vmem>>, vector<32x512xf32>
    tpu.vector_store %arg18[%swap3A_67, %swap3A_68], %add3A_66 {strides = array<i32>} : memref<32x512xf32, #tpu.memory_space<vmem>>, vector<32x512xf32>,
    %get3A_70 = arith.constant 0 : index
    %get3A_71 = arith.constant 0 : index
    %get3A_72 = vector.load %arg13[%get3A_70, %get3A_71] : memref<512x512xf32, #tpu.memory_space<vmem>>, vector<512x512xf32>
    %dot_general3A_73 = arith.constant dense<0.000000e+00> : vector<32x512xf32>
    %dot_general3A_74 = tpu.matmul %scan3A_16#2, %get3A_72, %dot_general3A_73 {dimension_numbers = #tpu.dot_dimension_numbers<[1], [1], [0], [0], [0, 0, 1, 0], [], []>, transpose_lhs_hint = false} : vector<32x512xf32>, vector<512x512xf32>, vector<32x512xf32> -> vector<32x512xf32>
    %get3A_75 = arith.constant 0 : index
    %get3A_76 = arith.constant 0 : index
    %get3A_77 = vector.load %arg14[%get3A_75, %get3A_76] : memref<1x512xf32, #tpu.memory_space<vmem>>, vector<1x512xf32>
    %add3A_78 = vector.broadcast %get3A_77 : vector<1x512xf32> to vector<32x512xf32>
    %add3A_79 = arith.addf %dot_general3A_74, %add3A_78 : vector<32x512xf32>
    %swap3A_80 = arith.constant 0 : index
    %swap3A_81 = arith.constant 0 : index
    %swap3A_82 = vector.load %arg19[%swap3A_80, %swap3A_81] : memref<32x512xf32, #tpu.memory_space<vmem>>, vector<32x512xf32>
    tpu.vector_store %arg19[%swap3A_80, %swap3A_81], %add3A_79 {strides = array<i32>} : memref<32x512xf32, #tpu.memory_space<vmem>>, vector<32x512xf32>,
    return
  }
}

module attributes {stable_mosaic.version = 14 : i64} {
  func.func @_att_body(%arg0: i32, %arg1: memref<8x1024xf32, #tpu.memory_space<vmem>>, %arg2: memref<8x512xf32, #tpu.memory_space<vmem>>, %arg3: memref<8x512xf32, #tpu.memory_space<vmem>>, %arg4: memref<8x512xf32, #tpu.memory_space<vmem>>, %arg5: memref<8x512xf32, #tpu.memory_space<vmem>>, %arg6: memref<36x8x1024xf32, #tpu.memory_space<vmem>>, %arg7: memref<36x7x8x36xf32, #tpu.memory_space<vmem>>, %arg8: memref<8x40x512xf32, #tpu.memory_space<vmem>>, %arg9: memref<60x8x512xf32, #tpu.memory_space<vmem>>, %arg10: memref<100x8x512xf32, #tpu.memory_space<vmem>>, %arg11: memref<7x512xf32, #tpu.memory_space<vmem>>, %arg12: memref<1x512xf32, #tpu.memory_space<vmem>>, %arg13: memref<1x1xf32, #tpu.memory_space<vmem>>, %arg14: memref<1x1024xf32, #tpu.memory_space<vmem>>, %arg15: memref<1x512xf32, #tpu.memory_space<vmem>>, %arg16: memref<1x512xf32, #tpu.memory_space<vmem>>, %arg17: memref<1x512xf32, #tpu.memory_space<vmem>>, %arg18: memref<1x512xf32, #tpu.memory_space<vmem>>, %arg19: memref<8x36xf32, #tpu.memory_space<vmem>>, %arg20: memref<8x1296xf32, #tpu.memory_space<vmem>>, %arg21: memref<8x40xf32, #tpu.memory_space<vmem>>, %arg22: memref<8x60xf32, #tpu.memory_space<vmem>>, %arg23: memref<8x100xf32, #tpu.memory_space<vmem>>) attributes {dimension_semantics = [#tpu.dimension_semantics<arbitrary>], iteration_bounds = array<i64: 4>, scalar_prefetch = 0 : i64, scratch_operands = 0 : i64, tpu.core_type = #tpu.core_type<tc>, window_params = [{transform_indices = @transform_0, window_bounds = array<i64: 8, 1024>}, {transform_indices = @transform_1, window_bounds = array<i64: 8, 512>}, {transform_indices = @transform_2, window_bounds = array<i64: 8, 512>}, {transform_indices = @transform_3, window_bounds = array<i64: 8, 512>}, {transform_indices = @transform_4, window_bounds = array<i64: 8, 512>}, {transform_indices = @transform_5, window_bounds = array<i64: 36, 8, 1024>}, {transform_indices = @transform_6, window_bounds = array<i64: 36, 7, 8, 36>}, {transform_indices = @transform_7, window_bounds = array<i64: 8, 40, 512>}, {transform_indices = @transform_8, window_bounds = array<i64: 60, 8, 512>}, {transform_indices = @transform_9, window_bounds = array<i64: 100, 8, 512>}, {pipeline_mode = #tpu.pipeline_mode<synchronous>, transform_indices = @transform_10, window_bounds = array<i64: 7, 512>}, {pipeline_mode = #tpu.pipeline_mode<synchronous>, transform_indices = @transform_11, window_bounds = array<i64: 1, 512>}, {pipeline_mode = #tpu.pipeline_mode<synchronous>, transform_indices = @transform_12, window_bounds = array<i64: 1, 1>}, {pipeline_mode = #tpu.pipeline_mode<synchronous>, transform_indices = @transform_13, window_bounds = array<i64: 1, 1024>}, {pipeline_mode = #tpu.pipeline_mode<synchronous>, transform_indices = @transform_14, window_bounds = array<i64: 1, 512>}, {pipeline_mode = #tpu.pipeline_mode<synchronous>, transform_indices = @transform_15, window_bounds = array<i64: 1, 512>}, {pipeline_mode = #tpu.pipeline_mode<synchronous>, transform_indices = @transform_16, window_bounds = array<i64: 1, 512>}, {pipeline_mode = #tpu.pipeline_mode<synchronous>, transform_indices = @transform_17, window_bounds = array<i64: 1, 512>}, {transform_indices = @transform_18, window_bounds = array<i64: 8, 36>}, {transform_indices = @transform_19, window_bounds = array<i64: 8, 1296>}, {transform_indices = @transform_20, window_bounds = array<i64: 8, 40>}, {transform_indices = @transform_21, window_bounds = array<i64: 8, 60>}, {transform_indices = @transform_22, window_bounds = array<i64: 8, 100>}]} {
    %get3A = arith.constant 0 : index
    %get3A_0 = arith.constant 0 : index
    %get3A_1 = vector.load %arg1[%get3A, %get3A_0] : memref<8x1024xf32, #tpu.memory_space<vmem>>, vector<8x1024xf32>
    %get3A_2 = arith.constant 0 : index
    %get3A_3 = arith.constant 0 : index
    %get3A_4 = arith.constant 0 : index
    %get3A_5 = vector.load %arg6[%get3A_2, %get3A_3, %get3A_4] : memref<36x8x1024xf32, #tpu.memory_space<vmem>>, vector<36x8x1024xf32>
    %get3A_6 = arith.constant 0 : index
    %get3A_7 = arith.constant 0 : index
    %get3A_8 = vector.load %arg14[%get3A_6, %get3A_7] : memref<1x1024xf32, #tpu.memory_space<vmem>>, vector<1x1024xf32>
    %broadcast_in_dim3A = vector.shape_cast %get3A_1 : vector<8x1024xf32> to vector<1x8x1024xf32>
    %add3A = vector.broadcast %broadcast_in_dim3A : vector<1x8x1024xf32> to vector<36x8x1024xf32>
    %add3A_9 = arith.addf %add3A, %get3A_5 : vector<36x8x1024xf32>
    %tanh3A = math.tanh %add3A_9 : vector<36x8x1024xf32>
    %broadcast_in_dim3A_10 = vector.shape_cast %get3A_8 : vector<1x1024xf32> to vector<1x1x1024xf32>
    %mul3A = vector.broadcast %broadcast_in_dim3A_10 : vector<1x1x1024xf32> to vector<36x8x1024xf32>
    %mul3A_11 = arith.mulf %tanh3A, %mul3A : vector<36x8x1024xf32>
    %reduce_sum3A = arith.constant dense<0.000000e+00> : vector<36x8xf32>
    %reduce_sum3A_12 = vector.multi_reduction <add>, %mul3A_11, %reduce_sum3A [2] : vector<36x8x1024xf32> to vector<36x8xf32>
    %reduce_max3A = arith.constant dense<0xFF800000> : vector<8xf32>
    %reduce_max3A_13 = vector.multi_reduction <maximumf>, %reduce_sum3A_12, %reduce_max3A [0] : vector<36x8xf32> to vector<8xf32>
    %broadcast_in_dim3A_14 = vector.shape_cast %reduce_max3A_13 : vector<8xf32> to vector<1x8xf32>
    %sub3A = vector.broadcast %broadcast_in_dim3A_14 : vector<1x8xf32> to vector<36x8xf32>
    %sub3A_15 = arith.subf %reduce_sum3A_12, %sub3A : vector<36x8xf32>
    %exp3A = math.exp %sub3A_15 : vector<36x8xf32>
    %reduce_sum3A_16 = arith.constant dense<0.000000e+00> : vector<8xf32>
    %reduce_sum3A_17 = vector.multi_reduction <add>, %exp3A, %reduce_sum3A_16 [0] : vector<36x8xf32> to vector<8xf32>
    %broadcast_in_dim3A_18 = vector.shape_cast %reduce_sum3A_17 : vector<8xf32> to vector<1x8xf32>
    %div3A = vector.broadcast %broadcast_in_dim3A_18 : vector<1x8xf32> to vector<36x8xf32>
    %div3A_19 = arith.divf %exp3A, %div3A : vector<36x8xf32>
    %transpose3A = tpu.transpose %div3A_19, [1, 0] : vector<36x8xf32> -> vector<8x36xf32>
    %swap3A = arith.constant 0 : index
    %swap3A_20 = arith.constant 0 : index
    %swap3A_21 = vector.load %arg19[%swap3A, %swap3A_20] : memref<8x36xf32, #tpu.memory_space<vmem>>, vector<8x36xf32>
    tpu.vector_store %arg19[%swap3A, %swap3A_20], %transpose3A {strides = array<i32>} : memref<8x36xf32, #tpu.memory_space<vmem>>, vector<8x36xf32>,
    %get3A_22 = arith.constant 0 : index
    %get3A_23 = arith.constant 0 : index
    %get3A_24 = vector.load %arg3[%get3A_22, %get3A_23] : memref<8x512xf32, #tpu.memory_space<vmem>>, vector<8x512xf32>
    %get3A_25 = arith.constant 0 : index
    %get3A_26 = arith.constant 0 : index
    %get3A_27 = arith.constant 0 : index
    %get3A_28 = vector.load %arg8[%get3A_25, %get3A_26, %get3A_27] : memref<8x40x512xf32, #tpu.memory_space<vmem>>, vector<8x40x512xf32>
    %get3A_29 = arith.constant 0 : index
    %get3A_30 = arith.constant 0 : index
    %get3A_31 = vector.load %arg16[%get3A_29, %get3A_30] : memref<1x512xf32, #tpu.memory_space<vmem>>, vector<1x512xf32>
    %broadcast_in_dim3A_32 = vector.shape_cast %get3A_24 : vector<8x512xf32> to vector<8x1x512xf32>
    %add3A_33 = vector.broadcast %broadcast_in_dim3A_32 : vector<8x1x512xf32> to vector<8x40x512xf32>
    %add3A_34 = arith.addf %add3A_33, %get3A_28 : vector<8x40x512xf32>
    %tanh3A_35 = math.tanh %add3A_34 : vector<8x40x512xf32>
    %broadcast_in_dim3A_36 = vector.shape_cast %get3A_31 : vector<1x512xf32> to vector<1x1x512xf32>
    %mul3A_37 = vector.broadcast %broadcast_in_dim3A_36 : vector<1x1x512xf32> to vector<8x40x512xf32>
    %mul3A_38 = arith.mulf %tanh3A_35, %mul3A_37 : vector<8x40x512xf32>
    %reduce_sum3A_39 = arith.constant dense<0.000000e+00> : vector<8x40xf32>
    %reduce_sum3A_40 = vector.multi_reduction <add>, %mul3A_38, %reduce_sum3A_39 [2] : vector<8x40x512xf32> to vector<8x40xf32>
    %reduce_max3A_41 = arith.constant dense<0xFF800000> : vector<8xf32>
    %reduce_max3A_42 = vector.multi_reduction <maximumf>, %reduce_sum3A_40, %reduce_max3A_41 [1] : vector<8x40xf32> to vector<8xf32>
    %broadcast_in_dim3A_43 = vector.shape_cast %reduce_max3A_42 : vector<8xf32> to vector<8x1xf32>
    %sub3A_44 = vector.broadcast %broadcast_in_dim3A_43 : vector<8x1xf32> to vector<8x40xf32>
    %sub3A_45 = arith.subf %reduce_sum3A_40, %sub3A_44 : vector<8x40xf32>
    %exp3A_46 = math.exp %sub3A_45 : vector<8x40xf32>
    %reduce_sum3A_47 = arith.constant dense<0.000000e+00> : vector<8xf32>
    %reduce_sum3A_48 = vector.multi_reduction <add>, %exp3A_46, %reduce_sum3A_47 [1] : vector<8x40xf32> to vector<8xf32>
    %broadcast_in_dim3A_49 = vector.shape_cast %reduce_sum3A_48 : vector<8xf32> to vector<8x1xf32>
    %div3A_50 = vector.broadcast %broadcast_in_dim3A_49 : vector<8x1xf32> to vector<8x40xf32>
    %div3A_51 = arith.divf %exp3A_46, %div3A_50 : vector<8x40xf32>
    %swap3A_52 = arith.constant 0 : index
    %swap3A_53 = arith.constant 0 : index
    %swap3A_54 = vector.load %arg21[%swap3A_52, %swap3A_53] : memref<8x40xf32, #tpu.memory_space<vmem>>, vector<8x40xf32>
    tpu.vector_store %arg21[%swap3A_52, %swap3A_53], %div3A_51 {strides = array<i32>} : memref<8x40xf32, #tpu.memory_space<vmem>>, vector<8x40xf32>,
    %get3A_55 = arith.constant 0 : index
    %get3A_56 = arith.constant 0 : index
    %get3A_57 = vector.load %arg4[%get3A_55, %get3A_56] : memref<8x512xf32, #tpu.memory_space<vmem>>, vector<8x512xf32>
    %get3A_58 = arith.constant 0 : index
    %get3A_59 = arith.constant 0 : index
    %get3A_60 = arith.constant 0 : index
    %get3A_61 = vector.load %arg9[%get3A_58, %get3A_59, %get3A_60] : memref<60x8x512xf32, #tpu.memory_space<vmem>>, vector<60x8x512xf32>
    %get3A_62 = arith.constant 0 : index
    %get3A_63 = arith.constant 0 : index
    %get3A_64 = vector.load %arg17[%get3A_62, %get3A_63] : memref<1x512xf32, #tpu.memory_space<vmem>>, vector<1x512xf32>
    %broadcast_in_dim3A_65 = vector.shape_cast %get3A_57 : vector<8x512xf32> to vector<1x8x512xf32>
    %add3A_66 = vector.broadcast %broadcast_in_dim3A_65 : vector<1x8x512xf32> to vector<60x8x512xf32>
    %add3A_67 = arith.addf %add3A_66, %get3A_61 : vector<60x8x512xf32>
    %tanh3A_68 = math.tanh %add3A_67 : vector<60x8x512xf32>
    %broadcast_in_dim3A_69 = vector.shape_cast %get3A_64 : vector<1x512xf32> to vector<1x1x512xf32>
    %mul3A_70 = vector.broadcast %broadcast_in_dim3A_69 : vector<1x1x512xf32> to vector<60x8x512xf32>
    %mul3A_71 = arith.mulf %tanh3A_68, %mul3A_70 : vector<60x8x512xf32>
    %reduce_sum3A_72 = arith.constant dense<0.000000e+00> : vector<60x8xf32>
    %reduce_sum3A_73 = vector.multi_reduction <add>, %mul3A_71, %reduce_sum3A_72 [2] : vector<60x8x512xf32> to vector<60x8xf32>
    %reduce_max3A_74 = arith.constant dense<0xFF800000> : vector<8xf32>
    %reduce_max3A_75 = vector.multi_reduction <maximumf>, %reduce_sum3A_73, %reduce_max3A_74 [0] : vector<60x8xf32> to vector<8xf32>
    %broadcast_in_dim3A_76 = vector.shape_cast %reduce_max3A_75 : vector<8xf32> to vector<1x8xf32>
    %sub3A_77 = vector.broadcast %broadcast_in_dim3A_76 : vector<1x8xf32> to vector<60x8xf32>
    %sub3A_78 = arith.subf %reduce_sum3A_73, %sub3A_77 : vector<60x8xf32>
    %exp3A_79 = math.exp %sub3A_78 : vector<60x8xf32>
    %reduce_sum3A_80 = arith.constant dense<0.000000e+00> : vector<8xf32>
    %reduce_sum3A_81 = vector.multi_reduction <add>, %exp3A_79, %reduce_sum3A_80 [0] : vector<60x8xf32> to vector<8xf32>
    %broadcast_in_dim3A_82 = vector.shape_cast %reduce_sum3A_81 : vector<8xf32> to vector<1x8xf32>
    %div3A_83 = vector.broadcast %broadcast_in_dim3A_82 : vector<1x8xf32> to vector<60x8xf32>
    %div3A_84 = arith.divf %exp3A_79, %div3A_83 : vector<60x8xf32>
    %transpose3A_85 = tpu.transpose %div3A_84, [1, 0] : vector<60x8xf32> -> vector<8x60xf32>
    %swap3A_86 = arith.constant 0 : index
    %swap3A_87 = arith.constant 0 : index
    %swap3A_88 = vector.load %arg22[%swap3A_86, %swap3A_87] : memref<8x60xf32, #tpu.memory_space<vmem>>, vector<8x60xf32>
    tpu.vector_store %arg22[%swap3A_86, %swap3A_87], %transpose3A_85 {strides = array<i32>} : memref<8x60xf32, #tpu.memory_space<vmem>>, vector<8x60xf32>,
    %get3A_89 = arith.constant 0 : index
    %get3A_90 = arith.constant 0 : index
    %get3A_91 = vector.load %arg5[%get3A_89, %get3A_90] : memref<8x512xf32, #tpu.memory_space<vmem>>, vector<8x512xf32>
    %get3A_92 = arith.constant 0 : index
    %get3A_93 = arith.constant 0 : index
    %get3A_94 = arith.constant 0 : index
    %get3A_95 = vector.load %arg10[%get3A_92, %get3A_93, %get3A_94] : memref<100x8x512xf32, #tpu.memory_space<vmem>>, vector<100x8x512xf32>
    %get3A_96 = arith.constant 0 : index
    %get3A_97 = arith.constant 0 : index
    %get3A_98 = vector.load %arg18[%get3A_96, %get3A_97] : memref<1x512xf32, #tpu.memory_space<vmem>>, vector<1x512xf32>
    %broadcast_in_dim3A_99 = vector.shape_cast %get3A_91 : vector<8x512xf32> to vector<1x8x512xf32>
    %add3A_100 = vector.broadcast %broadcast_in_dim3A_99 : vector<1x8x512xf32> to vector<100x8x512xf32>
    %add3A_101 = arith.addf %add3A_100, %get3A_95 : vector<100x8x512xf32>
    %tanh3A_102 = math.tanh %add3A_101 : vector<100x8x512xf32>
    %broadcast_in_dim3A_103 = vector.shape_cast %get3A_98 : vector<1x512xf32> to vector<1x1x512xf32>
    %mul3A_104 = vector.broadcast %broadcast_in_dim3A_103 : vector<1x1x512xf32> to vector<100x8x512xf32>
    %mul3A_105 = arith.mulf %tanh3A_102, %mul3A_104 : vector<100x8x512xf32>
    %reduce_sum3A_106 = arith.constant dense<0.000000e+00> : vector<100x8xf32>
    %reduce_sum3A_107 = vector.multi_reduction <add>, %mul3A_105, %reduce_sum3A_106 [2] : vector<100x8x512xf32> to vector<100x8xf32>
    %reduce_max3A_108 = arith.constant dense<0xFF800000> : vector<8xf32>
    %reduce_max3A_109 = vector.multi_reduction <maximumf>, %reduce_sum3A_107, %reduce_max3A_108 [0] : vector<100x8xf32> to vector<8xf32>
    %broadcast_in_dim3A_110 = vector.shape_cast %reduce_max3A_109 : vector<8xf32> to vector<1x8xf32>
    %sub3A_111 = vector.broadcast %broadcast_in_dim3A_110 : vector<1x8xf32> to vector<100x8xf32>
    %sub3A_112 = arith.subf %reduce_sum3A_107, %sub3A_111 : vector<100x8xf32>
    %exp3A_113 = math.exp %sub3A_112 : vector<100x8xf32>
    %reduce_sum3A_114 = arith.constant dense<0.000000e+00> : vector<8xf32>
    %reduce_sum3A_115 = vector.multi_reduction <add>, %exp3A_113, %reduce_sum3A_114 [0] : vector<100x8xf32> to vector<8xf32>
    %broadcast_in_dim3A_116 = vector.shape_cast %reduce_sum3A_115 : vector<8xf32> to vector<1x8xf32>
    %div3A_117 = vector.broadcast %broadcast_in_dim3A_116 : vector<1x8xf32> to vector<100x8xf32>
    %div3A_118 = arith.divf %exp3A_113, %div3A_117 : vector<100x8xf32>
    %transpose3A_119 = tpu.transpose %div3A_118, [1, 0] : vector<100x8xf32> -> vector<8x100xf32>
    %swap3A_120 = arith.constant 0 : index
    %swap3A_121 = arith.constant 0 : index
    %swap3A_122 = vector.load %arg23[%swap3A_120, %swap3A_121] : memref<8x100xf32, #tpu.memory_space<vmem>>, vector<8x100xf32>
    tpu.vector_store %arg23[%swap3A_120, %swap3A_121], %transpose3A_119 {strides = array<i32>} : memref<8x100xf32, #tpu.memory_space<vmem>>, vector<8x100xf32>,
    %get3A_123 = arith.constant 0 : index
    %get3A_124 = arith.constant 0 : index
    %get3A_125 = arith.constant 0 : index
    %get3A_126 = arith.constant 0 : index
    %get3A_127 = vector.load %arg7[%get3A_123, %get3A_124, %get3A_125, %get3A_126] : memref<36x7x8x36xf32, #tpu.memory_space<vmem>>, vector<36x7x8x36xf32>
    %slice3A = vector.extract_strided_slice %get3A_127 {offsets = [0, 0, 0, 0], sizes = [36, 7, 1, 36], strides = [1, 1, 1, 1]} : vector<36x7x8x36xf32> to vector<36x7x1x36xf32>
    %squeeze3A = vector.shape_cast %slice3A : vector<36x7x1x36xf32> to vector<36x7x36xf32>
    %transpose3A_128 = tpu.transpose %squeeze3A, [1, 0, 2] : vector<36x7x36xf32> -> vector<7x36x36xf32>
    %reshape3A = vector.shape_cast %transpose3A_128 : vector<7x36x36xf32> to vector<7x1296xf32>
    %transpose3A_129 = tpu.transpose %reshape3A, [1, 0] : vector<7x1296xf32> -> vector<1296x7xf32>
    %get3A_130 = arith.constant 0 : index
    %get3A_131 = arith.constant 0 : index
    %get3A_132 = vector.load %arg11[%get3A_130, %get3A_131] : memref<7x512xf32, #tpu.memory_space<vmem>>, vector<7x512xf32>
    %dot_general3A = arith.constant dense<0.000000e+00> : vector<1296x512xf32>
    %dot_general3A_133 = tpu.matmul %transpose3A_129, %get3A_132, %dot_general3A {dimension_numbers = #tpu.dot_dimension_numbers<[1], [0], [0], [1], [0, 0, 1, 1], [], []>, transpose_lhs_hint = false} : vector<1296x7xf32>, vector<7x512xf32>, vector<1296x512xf32> -> vector<1296x512xf32>
    %get3A_134 = arith.constant 0 : index
    %get3A_135 = arith.constant 0 : index
    %get3A_136 = vector.load %arg12[%get3A_134, %get3A_135] : memref<1x512xf32, #tpu.memory_space<vmem>>, vector<1x512xf32>
    %add3A_137 = vector.broadcast %get3A_136 : vector<1x512xf32> to vector<1296x512xf32>
    %add3A_138 = arith.addf %dot_general3A_133, %add3A_137 : vector<1296x512xf32>
    %get3A_139 = arith.constant 0 : index
    %get3A_140 = arith.constant 0 : index
    %get3A_141 = vector.load %arg2[%get3A_139, %get3A_140] : memref<8x512xf32, #tpu.memory_space<vmem>>, vector<1x512xf32>
    %add3A_142 = vector.broadcast %get3A_141 : vector<1x512xf32> to vector<1296x512xf32>
    %add3A_143 = arith.addf %add3A_142, %add3A_138 : vector<1296x512xf32>
    %tanh3A_144 = math.tanh %add3A_143 : vector<1296x512xf32>
    %get3A_145 = arith.constant 0 : index
    %get3A_146 = arith.constant 0 : index
    %get3A_147 = vector.load %arg15[%get3A_145, %get3A_146] : memref<1x512xf32, #tpu.memory_space<vmem>>, vector<1x512xf32>
    %mul3A_148 = vector.broadcast %get3A_147 : vector<1x512xf32> to vector<1296x512xf32>
    %mul3A_149 = arith.mulf %tanh3A_144, %mul3A_148 : vector<1296x512xf32>
    %reduce_sum3A_150 = arith.constant dense<0.000000e+00> : vector<1296xf32>
    %reduce_sum3A_151 = vector.multi_reduction <add>, %mul3A_149, %reduce_sum3A_150 [1] : vector<1296x512xf32> to vector<1296xf32>
    %broadcast_in_dim3A_152 = vector.shape_cast %reduce_sum3A_151 : vector<1296xf32> to vector<1296x1xf32>
    %get3A_153 = arith.constant 0 : index
    %get3A_154 = arith.constant 0 : index
    %get3A_155 = vector.load %arg13[%get3A_153, %get3A_154] : memref<1x1xf32, #tpu.memory_space<vmem>>, vector<1x1xf32>
    %add3A_156 = vector.broadcast %get3A_155 : vector<1x1xf32> to vector<1296x1xf32>
    %add3A_157 = arith.addf %broadcast_in_dim3A_152, %add3A_156 : vector<1296x1xf32>
    %transpose3A_158 = tpu.transpose %add3A_157, [1, 0] : vector<1296x1xf32> -> vector<1x1296xf32>
    %swap3A_159 = arith.constant 0 : index
    %swap3A_160 = arith.constant 0 : index
    %swap3A_161 = vector.load %arg20[%swap3A_159, %swap3A_160] : memref<8x1296xf32, #tpu.memory_space<vmem>>, vector<1x1296xf32>
    tpu.vector_store %arg20[%swap3A_159, %swap3A_160], %transpose3A_158 {strides = array<i32>} : memref<8x1296xf32, #tpu.memory_space<vmem>>, vector<1x1296xf32>,
    %slice3A_162 = vector.extract_strided_slice %get3A_127 {offsets = [0, 0, 1, 0], sizes = [36, 7, 1, 36], strides = [1, 1, 1, 1]} : vector<36x7x8x36xf32> to vector<36x7x1x36xf32>
    %squeeze3A_163 = vector.shape_cast %slice3A_162 : vector<36x7x1x36xf32> to vector<36x7x36xf32>
    %transpose3A_164 = tpu.transpose %squeeze3A_163, [1, 0, 2] : vector<36x7x36xf32> -> vector<7x36x36xf32>
    %reshape3A_165 = vector.shape_cast %transpose3A_164 : vector<7x36x36xf32> to vector<7x1296xf32>
    %transpose3A_166 = tpu.transpose %reshape3A_165, [1, 0] : vector<7x1296xf32> -> vector<1296x7xf32>
    %get3A_167 = arith.constant 0 : index
    %get3A_168 = arith.constant 0 : index
    %get3A_169 = vector.load %arg11[%get3A_167, %get3A_168] : memref<7x512xf32, #tpu.memory_space<vmem>>, vector<7x512xf32>
    %dot_general3A_170 = arith.constant dense<0.000000e+00> : vector<1296x512xf32>
    %dot_general3A_171 = tpu.matmul %transpose3A_166, %get3A_169, %dot_general3A_170 {dimension_numbers = #tpu.dot_dimension_numbers<[1], [0], [0], [1], [0, 0, 1, 1], [], []>, transpose_lhs_hint = false} : vector<1296x7xf32>, vector<7x512xf32>, vector<1296x512xf32> -> vector<1296x512xf32>
    %get3A_172 = arith.constant 0 : index
    %get3A_173 = arith.constant 0 : index
    %get3A_174 = vector.load %arg12[%get3A_172, %get3A_173] : memref<1x512xf32, #tpu.memory_space<vmem>>, vector<1x512xf32>
    %add3A_175 = vector.broadcast %get3A_174 : vector<1x512xf32> to vector<1296x512xf32>
    %add3A_176 = arith.addf %dot_general3A_171, %add3A_175 : vector<1296x512xf32>
    %get3A_177 = arith.constant 1 : index
    %get3A_178 = arith.constant 0 : index
    %get3A_179 = vector.load %arg2[%get3A_177, %get3A_178] : memref<8x512xf32, #tpu.memory_space<vmem>>, vector<1x512xf32>
    %add3A_180 = vector.broadcast %get3A_179 : vector<1x512xf32> to vector<1296x512xf32>
    %add3A_181 = arith.addf %add3A_180, %add3A_176 : vector<1296x512xf32>
    %tanh3A_182 = math.tanh %add3A_181 : vector<1296x512xf32>
    %get3A_183 = arith.constant 0 : index
    %get3A_184 = arith.constant 0 : index
    %get3A_185 = vector.load %arg15[%get3A_183, %get3A_184] : memref<1x512xf32, #tpu.memory_space<vmem>>, vector<1x512xf32>
    %mul3A_186 = vector.broadcast %get3A_185 : vector<1x512xf32> to vector<1296x512xf32>
    %mul3A_187 = arith.mulf %tanh3A_182, %mul3A_186 : vector<1296x512xf32>
    %reduce_sum3A_188 = arith.constant dense<0.000000e+00> : vector<1296xf32>
    %reduce_sum3A_189 = vector.multi_reduction <add>, %mul3A_187, %reduce_sum3A_188 [1] : vector<1296x512xf32> to vector<1296xf32>
    %broadcast_in_dim3A_190 = vector.shape_cast %reduce_sum3A_189 : vector<1296xf32> to vector<1296x1xf32>
    %get3A_191 = arith.constant 0 : index
    %get3A_192 = arith.constant 0 : index
    %get3A_193 = vector.load %arg13[%get3A_191, %get3A_192] : memref<1x1xf32, #tpu.memory_space<vmem>>, vector<1x1xf32>
    %add3A_194 = vector.broadcast %get3A_193 : vector<1x1xf32> to vector<1296x1xf32>
    %add3A_195 = arith.addf %broadcast_in_dim3A_190, %add3A_194 : vector<1296x1xf32>
    %transpose3A_196 = tpu.transpose %add3A_195, [1, 0] : vector<1296x1xf32> -> vector<1x1296xf32>
    %swap3A_197 = arith.constant 1 : index
    %swap3A_198 = arith.constant 0 : index
    %swap3A_199 = vector.load %arg20[%swap3A_197, %swap3A_198] : memref<8x1296xf32, #tpu.memory_space<vmem>>, vector<1x1296xf32>
    tpu.vector_store %arg20[%swap3A_197, %swap3A_198], %transpose3A_196 {strides = array<i32>} : memref<8x1296xf32, #tpu.memory_space<vmem>>, vector<1x1296xf32>,
    %slice3A_200 = vector.extract_strided_slice %get3A_127 {offsets = [0, 0, 2, 0], sizes = [36, 7, 1, 36], strides = [1, 1, 1, 1]} : vector<36x7x8x36xf32> to vector<36x7x1x36xf32>
    %squeeze3A_201 = vector.shape_cast %slice3A_200 : vector<36x7x1x36xf32> to vector<36x7x36xf32>
    %transpose3A_202 = tpu.transpose %squeeze3A_201, [1, 0, 2] : vector<36x7x36xf32> -> vector<7x36x36xf32>
    %reshape3A_203 = vector.shape_cast %transpose3A_202 : vector<7x36x36xf32> to vector<7x1296xf32>
    %transpose3A_204 = tpu.transpose %reshape3A_203, [1, 0] : vector<7x1296xf32> -> vector<1296x7xf32>
    %get3A_205 = arith.constant 0 : index
    %get3A_206 = arith.constant 0 : index
    %get3A_207 = vector.load %arg11[%get3A_205, %get3A_206] : memref<7x512xf32, #tpu.memory_space<vmem>>, vector<7x512xf32>
    %dot_general3A_208 = arith.constant dense<0.000000e+00> : vector<1296x512xf32>
    %dot_general3A_209 = tpu.matmul %transpose3A_204, %get3A_207, %dot_general3A_208 {dimension_numbers = #tpu.dot_dimension_numbers<[1], [0], [0], [1], [0, 0, 1, 1], [], []>, transpose_lhs_hint = false} : vector<1296x7xf32>, vector<7x512xf32>, vector<1296x512xf32> -> vector<1296x512xf32>
    %get3A_210 = arith.constant 0 : index
    %get3A_211 = arith.constant 0 : index
    %get3A_212 = vector.load %arg12[%get3A_210, %get3A_211] : memref<1x512xf32, #tpu.memory_space<vmem>>, vector<1x512xf32>
    %add3A_213 = vector.broadcast %get3A_212 : vector<1x512xf32> to vector<1296x512xf32>
    %add3A_214 = arith.addf %dot_general3A_209, %add3A_213 : vector<1296x512xf32>
    %get3A_215 = arith.constant 2 : index
    %get3A_216 = arith.constant 0 : index
    %get3A_217 = vector.load %arg2[%get3A_215, %get3A_216] : memref<8x512xf32, #tpu.memory_space<vmem>>, vector<1x512xf32>
    %add3A_218 = vector.broadcast %get3A_217 : vector<1x512xf32> to vector<1296x512xf32>
    %add3A_219 = arith.addf %add3A_218, %add3A_214 : vector<1296x512xf32>
    %tanh3A_220 = math.tanh %add3A_219 : vector<1296x512xf32>
    %get3A_221 = arith.constant 0 : index
    %get3A_222 = arith.constant 0 : index
    %get3A_223 = vector.load %arg15[%get3A_221, %get3A_222] : memref<1x512xf32, #tpu.memory_space<vmem>>, vector<1x512xf32>
    %mul3A_224 = vector.broadcast %get3A_223 : vector<1x512xf32> to vector<1296x512xf32>
    %mul3A_225 = arith.mulf %tanh3A_220, %mul3A_224 : vector<1296x512xf32>
    %reduce_sum3A_226 = arith.constant dense<0.000000e+00> : vector<1296xf32>
    %reduce_sum3A_227 = vector.multi_reduction <add>, %mul3A_225, %reduce_sum3A_226 [1] : vector<1296x512xf32> to vector<1296xf32>
    %broadcast_in_dim3A_228 = vector.shape_cast %reduce_sum3A_227 : vector<1296xf32> to vector<1296x1xf32>
    %get3A_229 = arith.constant 0 : index
    %get3A_230 = arith.constant 0 : index
    %get3A_231 = vector.load %arg13[%get3A_229, %get3A_230] : memref<1x1xf32, #tpu.memory_space<vmem>>, vector<1x1xf32>
    %add3A_232 = vector.broadcast %get3A_231 : vector<1x1xf32> to vector<1296x1xf32>
    %add3A_233 = arith.addf %broadcast_in_dim3A_228, %add3A_232 : vector<1296x1xf32>
    %transpose3A_234 = tpu.transpose %add3A_233, [1, 0] : vector<1296x1xf32> -> vector<1x1296xf32>
    %swap3A_235 = arith.constant 2 : index
    %swap3A_236 = arith.constant 0 : index
    %swap3A_237 = vector.load %arg20[%swap3A_235, %swap3A_236] : memref<8x1296xf32, #tpu.memory_space<vmem>>, vector<1x1296xf32>
    tpu.vector_store %arg20[%swap3A_235, %swap3A_236], %transpose3A_234 {strides = array<i32>} : memref<8x1296xf32, #tpu.memory_space<vmem>>, vector<1x1296xf32>,
    %slice3A_238 = vector.extract_strided_slice %get3A_127 {offsets = [0, 0, 3, 0], sizes = [36, 7, 1, 36], strides = [1, 1, 1, 1]} : vector<36x7x8x36xf32> to vector<36x7x1x36xf32>
    %squeeze3A_239 = vector.shape_cast %slice3A_238 : vector<36x7x1x36xf32> to vector<36x7x36xf32>
    %transpose3A_240 = tpu.transpose %squeeze3A_239, [1, 0, 2] : vector<36x7x36xf32> -> vector<7x36x36xf32>
    %reshape3A_241 = vector.shape_cast %transpose3A_240 : vector<7x36x36xf32> to vector<7x1296xf32>
    %transpose3A_242 = tpu.transpose %reshape3A_241, [1, 0] : vector<7x1296xf32> -> vector<1296x7xf32>
    %get3A_243 = arith.constant 0 : index
    %get3A_244 = arith.constant 0 : index
    %get3A_245 = vector.load %arg11[%get3A_243, %get3A_244] : memref<7x512xf32, #tpu.memory_space<vmem>>, vector<7x512xf32>
    %dot_general3A_246 = arith.constant dense<0.000000e+00> : vector<1296x512xf32>
    %dot_general3A_247 = tpu.matmul %transpose3A_242, %get3A_245, %dot_general3A_246 {dimension_numbers = #tpu.dot_dimension_numbers<[1], [0], [0], [1], [0, 0, 1, 1], [], []>, transpose_lhs_hint = false} : vector<1296x7xf32>, vector<7x512xf32>, vector<1296x512xf32> -> vector<1296x512xf32>
    %get3A_248 = arith.constant 0 : index
    %get3A_249 = arith.constant 0 : index
    %get3A_250 = vector.load %arg12[%get3A_248, %get3A_249] : memref<1x512xf32, #tpu.memory_space<vmem>>, vector<1x512xf32>
    %add3A_251 = vector.broadcast %get3A_250 : vector<1x512xf32> to vector<1296x512xf32>
    %add3A_252 = arith.addf %dot_general3A_247, %add3A_251 : vector<1296x512xf32>
    %get3A_253 = arith.constant 3 : index
    %get3A_254 = arith.constant 0 : index
    %get3A_255 = vector.load %arg2[%get3A_253, %get3A_254] : memref<8x512xf32, #tpu.memory_space<vmem>>, vector<1x512xf32>
    %add3A_256 = vector.broadcast %get3A_255 : vector<1x512xf32> to vector<1296x512xf32>
    %add3A_257 = arith.addf %add3A_256, %add3A_252 : vector<1296x512xf32>
    %tanh3A_258 = math.tanh %add3A_257 : vector<1296x512xf32>
    %get3A_259 = arith.constant 0 : index
    %get3A_260 = arith.constant 0 : index
    %get3A_261 = vector.load %arg15[%get3A_259, %get3A_260] : memref<1x512xf32, #tpu.memory_space<vmem>>, vector<1x512xf32>
    %mul3A_262 = vector.broadcast %get3A_261 : vector<1x512xf32> to vector<1296x512xf32>
    %mul3A_263 = arith.mulf %tanh3A_258, %mul3A_262 : vector<1296x512xf32>
    %reduce_sum3A_264 = arith.constant dense<0.000000e+00> : vector<1296xf32>
    %reduce_sum3A_265 = vector.multi_reduction <add>, %mul3A_263, %reduce_sum3A_264 [1] : vector<1296x512xf32> to vector<1296xf32>
    %broadcast_in_dim3A_266 = vector.shape_cast %reduce_sum3A_265 : vector<1296xf32> to vector<1296x1xf32>
    %get3A_267 = arith.constant 0 : index
    %get3A_268 = arith.constant 0 : index
    %get3A_269 = vector.load %arg13[%get3A_267, %get3A_268] : memref<1x1xf32, #tpu.memory_space<vmem>>, vector<1x1xf32>
    %add3A_270 = vector.broadcast %get3A_269 : vector<1x1xf32> to vector<1296x1xf32>
    %add3A_271 = arith.addf %broadcast_in_dim3A_266, %add3A_270 : vector<1296x1xf32>
    %transpose3A_272 = tpu.transpose %add3A_271, [1, 0] : vector<1296x1xf32> -> vector<1x1296xf32>
    %swap3A_273 = arith.constant 3 : index
    %swap3A_274 = arith.constant 0 : index
    %swap3A_275 = vector.load %arg20[%swap3A_273, %swap3A_274] : memref<8x1296xf32, #tpu.memory_space<vmem>>, vector<1x1296xf32>
    tpu.vector_store %arg20[%swap3A_273, %swap3A_274], %transpose3A_272 {strides = array<i32>} : memref<8x1296xf32, #tpu.memory_space<vmem>>, vector<1x1296xf32>,
    %slice3A_276 = vector.extract_strided_slice %get3A_127 {offsets = [0, 0, 4, 0], sizes = [36, 7, 1, 36], strides = [1, 1, 1, 1]} : vector<36x7x8x36xf32> to vector<36x7x1x36xf32>
    %squeeze3A_277 = vector.shape_cast %slice3A_276 : vector<36x7x1x36xf32> to vector<36x7x36xf32>
    %transpose3A_278 = tpu.transpose %squeeze3A_277, [1, 0, 2] : vector<36x7x36xf32> -> vector<7x36x36xf32>
    %reshape3A_279 = vector.shape_cast %transpose3A_278 : vector<7x36x36xf32> to vector<7x1296xf32>
    %transpose3A_280 = tpu.transpose %reshape3A_279, [1, 0] : vector<7x1296xf32> -> vector<1296x7xf32>
    %get3A_281 = arith.constant 0 : index
    %get3A_282 = arith.constant 0 : index
    %get3A_283 = vector.load %arg11[%get3A_281, %get3A_282] : memref<7x512xf32, #tpu.memory_space<vmem>>, vector<7x512xf32>
    %dot_general3A_284 = arith.constant dense<0.000000e+00> : vector<1296x512xf32>
    %dot_general3A_285 = tpu.matmul %transpose3A_280, %get3A_283, %dot_general3A_284 {dimension_numbers = #tpu.dot_dimension_numbers<[1], [0], [0], [1], [0, 0, 1, 1], [], []>, transpose_lhs_hint = false} : vector<1296x7xf32>, vector<7x512xf32>, vector<1296x512xf32> -> vector<1296x512xf32>
    %get3A_286 = arith.constant 0 : index
    %get3A_287 = arith.constant 0 : index
    %get3A_288 = vector.load %arg12[%get3A_286, %get3A_287] : memref<1x512xf32, #tpu.memory_space<vmem>>, vector<1x512xf32>
    %add3A_289 = vector.broadcast %get3A_288 : vector<1x512xf32> to vector<1296x512xf32>
    %add3A_290 = arith.addf %dot_general3A_285, %add3A_289 : vector<1296x512xf32>
    %get3A_291 = arith.constant 4 : index
    %get3A_292 = arith.constant 0 : index
    %get3A_293 = vector.load %arg2[%get3A_291, %get3A_292] : memref<8x512xf32, #tpu.memory_space<vmem>>, vector<1x512xf32>
    %add3A_294 = vector.broadcast %get3A_293 : vector<1x512xf32> to vector<1296x512xf32>
    %add3A_295 = arith.addf %add3A_294, %add3A_290 : vector<1296x512xf32>
    %tanh3A_296 = math.tanh %add3A_295 : vector<1296x512xf32>
    %get3A_297 = arith.constant 0 : index
    %get3A_298 = arith.constant 0 : index
    %get3A_299 = vector.load %arg15[%get3A_297, %get3A_298] : memref<1x512xf32, #tpu.memory_space<vmem>>, vector<1x512xf32>
    %mul3A_300 = vector.broadcast %get3A_299 : vector<1x512xf32> to vector<1296x512xf32>
    %mul3A_301 = arith.mulf %tanh3A_296, %mul3A_300 : vector<1296x512xf32>
    %reduce_sum3A_302 = arith.constant dense<0.000000e+00> : vector<1296xf32>
    %reduce_sum3A_303 = vector.multi_reduction <add>, %mul3A_301, %reduce_sum3A_302 [1] : vector<1296x512xf32> to vector<1296xf32>
    %broadcast_in_dim3A_304 = vector.shape_cast %reduce_sum3A_303 : vector<1296xf32> to vector<1296x1xf32>
    %get3A_305 = arith.constant 0 : index
    %get3A_306 = arith.constant 0 : index
    %get3A_307 = vector.load %arg13[%get3A_305, %get3A_306] : memref<1x1xf32, #tpu.memory_space<vmem>>, vector<1x1xf32>
    %add3A_308 = vector.broadcast %get3A_307 : vector<1x1xf32> to vector<1296x1xf32>
    %add3A_309 = arith.addf %broadcast_in_dim3A_304, %add3A_308 : vector<1296x1xf32>
    %transpose3A_310 = tpu.transpose %add3A_309, [1, 0] : vector<1296x1xf32> -> vector<1x1296xf32>
    %swap3A_311 = arith.constant 4 : index
    %swap3A_312 = arith.constant 0 : index
    %swap3A_313 = vector.load %arg20[%swap3A_311, %swap3A_312] : memref<8x1296xf32, #tpu.memory_space<vmem>>, vector<1x1296xf32>
    tpu.vector_store %arg20[%swap3A_311, %swap3A_312], %transpose3A_310 {strides = array<i32>} : memref<8x1296xf32, #tpu.memory_space<vmem>>, vector<1x1296xf32>,
    %slice3A_314 = vector.extract_strided_slice %get3A_127 {offsets = [0, 0, 5, 0], sizes = [36, 7, 1, 36], strides = [1, 1, 1, 1]} : vector<36x7x8x36xf32> to vector<36x7x1x36xf32>
    %squeeze3A_315 = vector.shape_cast %slice3A_314 : vector<36x7x1x36xf32> to vector<36x7x36xf32>
    %transpose3A_316 = tpu.transpose %squeeze3A_315, [1, 0, 2] : vector<36x7x36xf32> -> vector<7x36x36xf32>
    %reshape3A_317 = vector.shape_cast %transpose3A_316 : vector<7x36x36xf32> to vector<7x1296xf32>
    %transpose3A_318 = tpu.transpose %reshape3A_317, [1, 0] : vector<7x1296xf32> -> vector<1296x7xf32>
    %get3A_319 = arith.constant 0 : index
    %get3A_320 = arith.constant 0 : index
    %get3A_321 = vector.load %arg11[%get3A_319, %get3A_320] : memref<7x512xf32, #tpu.memory_space<vmem>>, vector<7x512xf32>
    %dot_general3A_322 = arith.constant dense<0.000000e+00> : vector<1296x512xf32>
    %dot_general3A_323 = tpu.matmul %transpose3A_318, %get3A_321, %dot_general3A_322 {dimension_numbers = #tpu.dot_dimension_numbers<[1], [0], [0], [1], [0, 0, 1, 1], [], []>, transpose_lhs_hint = false} : vector<1296x7xf32>, vector<7x512xf32>, vector<1296x512xf32> -> vector<1296x512xf32>
    %get3A_324 = arith.constant 0 : index
    %get3A_325 = arith.constant 0 : index
    %get3A_326 = vector.load %arg12[%get3A_324, %get3A_325] : memref<1x512xf32, #tpu.memory_space<vmem>>, vector<1x512xf32>
    %add3A_327 = vector.broadcast %get3A_326 : vector<1x512xf32> to vector<1296x512xf32>
    %add3A_328 = arith.addf %dot_general3A_323, %add3A_327 : vector<1296x512xf32>
    %get3A_329 = arith.constant 5 : index
    %get3A_330 = arith.constant 0 : index
    %get3A_331 = vector.load %arg2[%get3A_329, %get3A_330] : memref<8x512xf32, #tpu.memory_space<vmem>>, vector<1x512xf32>
    %add3A_332 = vector.broadcast %get3A_331 : vector<1x512xf32> to vector<1296x512xf32>
    %add3A_333 = arith.addf %add3A_332, %add3A_328 : vector<1296x512xf32>
    %tanh3A_334 = math.tanh %add3A_333 : vector<1296x512xf32>
    %get3A_335 = arith.constant 0 : index
    %get3A_336 = arith.constant 0 : index
    %get3A_337 = vector.load %arg15[%get3A_335, %get3A_336] : memref<1x512xf32, #tpu.memory_space<vmem>>, vector<1x512xf32>
    %mul3A_338 = vector.broadcast %get3A_337 : vector<1x512xf32> to vector<1296x512xf32>
    %mul3A_339 = arith.mulf %tanh3A_334, %mul3A_338 : vector<1296x512xf32>
    %reduce_sum3A_340 = arith.constant dense<0.000000e+00> : vector<1296xf32>
    %reduce_sum3A_341 = vector.multi_reduction <add>, %mul3A_339, %reduce_sum3A_340 [1] : vector<1296x512xf32> to vector<1296xf32>
    %broadcast_in_dim3A_342 = vector.shape_cast %reduce_sum3A_341 : vector<1296xf32> to vector<1296x1xf32>
    %get3A_343 = arith.constant 0 : index
    %get3A_344 = arith.constant 0 : index
    %get3A_345 = vector.load %arg13[%get3A_343, %get3A_344] : memref<1x1xf32, #tpu.memory_space<vmem>>, vector<1x1xf32>
    %add3A_346 = vector.broadcast %get3A_345 : vector<1x1xf32> to vector<1296x1xf32>
    %add3A_347 = arith.addf %broadcast_in_dim3A_342, %add3A_346 : vector<1296x1xf32>
    %transpose3A_348 = tpu.transpose %add3A_347, [1, 0] : vector<1296x1xf32> -> vector<1x1296xf32>
    %swap3A_349 = arith.constant 5 : index
    %swap3A_350 = arith.constant 0 : index
    %swap3A_351 = vector.load %arg20[%swap3A_349, %swap3A_350] : memref<8x1296xf32, #tpu.memory_space<vmem>>, vector<1x1296xf32>
    tpu.vector_store %arg20[%swap3A_349, %swap3A_350], %transpose3A_348 {strides = array<i32>} : memref<8x1296xf32, #tpu.memory_space<vmem>>, vector<1x1296xf32>,
    %slice3A_352 = vector.extract_strided_slice %get3A_127 {offsets = [0, 0, 6, 0], sizes = [36, 7, 1, 36], strides = [1, 1, 1, 1]} : vector<36x7x8x36xf32> to vector<36x7x1x36xf32>
    %squeeze3A_353 = vector.shape_cast %slice3A_352 : vector<36x7x1x36xf32> to vector<36x7x36xf32>
    %transpose3A_354 = tpu.transpose %squeeze3A_353, [1, 0, 2] : vector<36x7x36xf32> -> vector<7x36x36xf32>
    %reshape3A_355 = vector.shape_cast %transpose3A_354 : vector<7x36x36xf32> to vector<7x1296xf32>
    %transpose3A_356 = tpu.transpose %reshape3A_355, [1, 0] : vector<7x1296xf32> -> vector<1296x7xf32>
    %get3A_357 = arith.constant 0 : index
    %get3A_358 = arith.constant 0 : index
    %get3A_359 = vector.load %arg11[%get3A_357, %get3A_358] : memref<7x512xf32, #tpu.memory_space<vmem>>, vector<7x512xf32>
    %dot_general3A_360 = arith.constant dense<0.000000e+00> : vector<1296x512xf32>
    %dot_general3A_361 = tpu.matmul %transpose3A_356, %get3A_359, %dot_general3A_360 {dimension_numbers = #tpu.dot_dimension_numbers<[1], [0], [0], [1], [0, 0, 1, 1], [], []>, transpose_lhs_hint = false} : vector<1296x7xf32>, vector<7x512xf32>, vector<1296x512xf32> -> vector<1296x512xf32>
    %get3A_362 = arith.constant 0 : index
    %get3A_363 = arith.constant 0 : index
    %get3A_364 = vector.load %arg12[%get3A_362, %get3A_363] : memref<1x512xf32, #tpu.memory_space<vmem>>, vector<1x512xf32>
    %add3A_365 = vector.broadcast %get3A_364 : vector<1x512xf32> to vector<1296x512xf32>
    %add3A_366 = arith.addf %dot_general3A_361, %add3A_365 : vector<1296x512xf32>
    %get3A_367 = arith.constant 6 : index
    %get3A_368 = arith.constant 0 : index
    %get3A_369 = vector.load %arg2[%get3A_367, %get3A_368] : memref<8x512xf32, #tpu.memory_space<vmem>>, vector<1x512xf32>
    %add3A_370 = vector.broadcast %get3A_369 : vector<1x512xf32> to vector<1296x512xf32>
    %add3A_371 = arith.addf %add3A_370, %add3A_366 : vector<1296x512xf32>
    %tanh3A_372 = math.tanh %add3A_371 : vector<1296x512xf32>
    %get3A_373 = arith.constant 0 : index
    %get3A_374 = arith.constant 0 : index
    %get3A_375 = vector.load %arg15[%get3A_373, %get3A_374] : memref<1x512xf32, #tpu.memory_space<vmem>>, vector<1x512xf32>
    %mul3A_376 = vector.broadcast %get3A_375 : vector<1x512xf32> to vector<1296x512xf32>
    %mul3A_377 = arith.mulf %tanh3A_372, %mul3A_376 : vector<1296x512xf32>
    %reduce_sum3A_378 = arith.constant dense<0.000000e+00> : vector<1296xf32>
    %reduce_sum3A_379 = vector.multi_reduction <add>, %mul3A_377, %reduce_sum3A_378 [1] : vector<1296x512xf32> to vector<1296xf32>
    %broadcast_in_dim3A_380 = vector.shape_cast %reduce_sum3A_379 : vector<1296xf32> to vector<1296x1xf32>
    %get3A_381 = arith.constant 0 : index
    %get3A_382 = arith.constant 0 : index
    %get3A_383 = vector.load %arg13[%get3A_381, %get3A_382] : memref<1x1xf32, #tpu.memory_space<vmem>>, vector<1x1xf32>
    %add3A_384 = vector.broadcast %get3A_383 : vector<1x1xf32> to vector<1296x1xf32>
    %add3A_385 = arith.addf %broadcast_in_dim3A_380, %add3A_384 : vector<1296x1xf32>
    %transpose3A_386 = tpu.transpose %add3A_385, [1, 0] : vector<1296x1xf32> -> vector<1x1296xf32>
    %swap3A_387 = arith.constant 6 : index
    %swap3A_388 = arith.constant 0 : index
    %swap3A_389 = vector.load %arg20[%swap3A_387, %swap3A_388] : memref<8x1296xf32, #tpu.memory_space<vmem>>, vector<1x1296xf32>
    tpu.vector_store %arg20[%swap3A_387, %swap3A_388], %transpose3A_386 {strides = array<i32>} : memref<8x1296xf32, #tpu.memory_space<vmem>>, vector<1x1296xf32>,
    %slice3A_390 = vector.extract_strided_slice %get3A_127 {offsets = [0, 0, 7, 0], sizes = [36, 7, 1, 36], strides = [1, 1, 1, 1]} : vector<36x7x8x36xf32> to vector<36x7x1x36xf32>
    %squeeze3A_391 = vector.shape_cast %slice3A_390 : vector<36x7x1x36xf32> to vector<36x7x36xf32>
    %transpose3A_392 = tpu.transpose %squeeze3A_391, [1, 0, 2] : vector<36x7x36xf32> -> vector<7x36x36xf32>
    %reshape3A_393 = vector.shape_cast %transpose3A_392 : vector<7x36x36xf32> to vector<7x1296xf32>
    %transpose3A_394 = tpu.transpose %reshape3A_393, [1, 0] : vector<7x1296xf32> -> vector<1296x7xf32>
    %get3A_395 = arith.constant 0 : index
    %get3A_396 = arith.constant 0 : index
    %get3A_397 = vector.load %arg11[%get3A_395, %get3A_396] : memref<7x512xf32, #tpu.memory_space<vmem>>, vector<7x512xf32>
    %dot_general3A_398 = arith.constant dense<0.000000e+00> : vector<1296x512xf32>
    %dot_general3A_399 = tpu.matmul %transpose3A_394, %get3A_397, %dot_general3A_398 {dimension_numbers = #tpu.dot_dimension_numbers<[1], [0], [0], [1], [0, 0, 1, 1], [], []>, transpose_lhs_hint = false} : vector<1296x7xf32>, vector<7x512xf32>, vector<1296x512xf32> -> vector<1296x512xf32>
    %get3A_400 = arith.constant 0 : index
    %get3A_401 = arith.constant 0 : index
    %get3A_402 = vector.load %arg12[%get3A_400, %get3A_401] : memref<1x512xf32, #tpu.memory_space<vmem>>, vector<1x512xf32>
    %add3A_403 = vector.broadcast %get3A_402 : vector<1x512xf32> to vector<1296x512xf32>
    %add3A_404 = arith.addf %dot_general3A_399, %add3A_403 : vector<1296x512xf32>
    %get3A_405 = arith.constant 7 : index
    %get3A_406 = arith.constant 0 : index
    %get3A_407 = vector.load %arg2[%get3A_405, %get3A_406] : memref<8x512xf32, #tpu.memory_space<vmem>>, vector<1x512xf32>
    %add3A_408 = vector.broadcast %get3A_407 : vector<1x512xf32> to vector<1296x512xf32>
    %add3A_409 = arith.addf %add3A_408, %add3A_404 : vector<1296x512xf32>
    %tanh3A_410 = math.tanh %add3A_409 : vector<1296x512xf32>
    %get3A_411 = arith.constant 0 : index
    %get3A_412 = arith.constant 0 : index
    %get3A_413 = vector.load %arg15[%get3A_411, %get3A_412] : memref<1x512xf32, #tpu.memory_space<vmem>>, vector<1x512xf32>
    %mul3A_414 = vector.broadcast %get3A_413 : vector<1x512xf32> to vector<1296x512xf32>
    %mul3A_415 = arith.mulf %tanh3A_410, %mul3A_414 : vector<1296x512xf32>
    %reduce_sum3A_416 = arith.constant dense<0.000000e+00> : vector<1296xf32>
    %reduce_sum3A_417 = vector.multi_reduction <add>, %mul3A_415, %reduce_sum3A_416 [1] : vector<1296x512xf32> to vector<1296xf32>
    %broadcast_in_dim3A_418 = vector.shape_cast %reduce_sum3A_417 : vector<1296xf32> to vector<1296x1xf32>
    %get3A_419 = arith.constant 0 : index
    %get3A_420 = arith.constant 0 : index
    %get3A_421 = vector.load %arg13[%get3A_419, %get3A_420] : memref<1x1xf32, #tpu.memory_space<vmem>>, vector<1x1xf32>
    %add3A_422 = vector.broadcast %get3A_421 : vector<1x1xf32> to vector<1296x1xf32>
    %add3A_423 = arith.addf %broadcast_in_dim3A_418, %add3A_422 : vector<1296x1xf32>
    %transpose3A_424 = tpu.transpose %add3A_423, [1, 0] : vector<1296x1xf32> -> vector<1x1296xf32>
    %swap3A_425 = arith.constant 7 : index
    %swap3A_426 = arith.constant 0 : index
    %swap3A_427 = vector.load %arg20[%swap3A_425, %swap3A_426] : memref<8x1296xf32, #tpu.memory_space<vmem>>, vector<1x1296xf32>
    tpu.vector_store %arg20[%swap3A_425, %swap3A_426], %transpose3A_424 {strides = array<i32>} : memref<8x1296xf32, #tpu.memory_space<vmem>>, vector<1x1296xf32>,
    return
  }
  func.func @transform_0(%arg0: i32) -> (i32, i32) {
    %c0_i32 = arith.constant 0 : i32
    %c0_i32_0 = arith.constant 0 : i32
    return %arg0, %c0_i32 : i32, i32
  }
  func.func @transform_1(%arg0: i32) -> (i32, i32) {
    %c0_i32 = arith.constant 0 : i32
    %c0_i32_0 = arith.constant 0 : i32
    return %arg0, %c0_i32 : i32, i32
  }
  func.func @transform_2(%arg0: i32) -> (i32, i32) {
    %c0_i32 = arith.constant 0 : i32
    %c0_i32_0 = arith.constant 0 : i32
    return %arg0, %c0_i32 : i32, i32
  }
  func.func @transform_3(%arg0: i32) -> (i32, i32) {
    %c0_i32 = arith.constant 0 : i32
    %c0_i32_0 = arith.constant 0 : i32
    return %arg0, %c0_i32 : i32, i32
  }
  func.func @transform_4(%arg0: i32) -> (i32, i32) {
    %c0_i32 = arith.constant 0 : i32
    %c0_i32_0 = arith.constant 0 : i32
    return %arg0, %c0_i32 : i32, i32
  }
  func.func @transform_5(%arg0: i32) -> (i32, i32, i32) {
    %c0_i32 = arith.constant 0 : i32
    %c0_i32_0 = arith.constant 0 : i32
    %c0_i32_1 = arith.constant 0 : i32
    return %c0_i32, %arg0, %c0_i32_0 : i32, i32, i32
  }
  func.func @transform_6(%arg0: i32) -> (i32, i32, i32, i32) {
    %c0_i32 = arith.constant 0 : i32
    %c0_i32_0 = arith.constant 0 : i32
    %c0_i32_1 = arith.constant 0 : i32
    %c0_i32_2 = arith.constant 0 : i32
    return %c0_i32, %c0_i32_0, %arg0, %c0_i32_1 : i32, i32, i32, i32
  }
  func.func @transform_7(%arg0: i32) -> (i32, i32, i32) {
    %c0_i32 = arith.constant 0 : i32
    %c0_i32_0 = arith.constant 0 : i32
    %c0_i32_1 = arith.constant 0 : i32
    return %arg0, %c0_i32, %c0_i32_0 : i32, i32, i32
  }
  func.func @transform_8(%arg0: i32) -> (i32, i32, i32) {
    %c0_i32 = arith.constant 0 : i32
    %c0_i32_0 = arith.constant 0 : i32
    %c0_i32_1 = arith.constant 0 : i32
    return %c0_i32, %arg0, %c0_i32_0 : i32, i32, i32
  }
  func.func @transform_9(%arg0: i32) -> (i32, i32, i32) {
    %c0_i32 = arith.constant 0 : i32
    %c0_i32_0 = arith.constant 0 : i32
    %c0_i32_1 = arith.constant 0 : i32
    return %c0_i32, %arg0, %c0_i32_0 : i32, i32, i32
  }
  func.func @transform_10(%arg0: i32) -> (i32, i32) {
    %c0_i32 = arith.constant 0 : i32
    %c0_i32_0 = arith.constant 0 : i32
    %c0_i32_1 = arith.constant 0 : i32
    return %c0_i32, %c0_i32_0 : i32, i32
  }
  func.func @transform_11(%arg0: i32) -> (i32, i32) {
    %c0_i32 = arith.constant 0 : i32
    %c0_i32_0 = arith.constant 0 : i32
    %c0_i32_1 = arith.constant 0 : i32
    return %c0_i32, %c0_i32_0 : i32, i32
  }
  func.func @transform_12(%arg0: i32) -> (i32, i32) {
    %c0_i32 = arith.constant 0 : i32
    %c0_i32_0 = arith.constant 0 : i32
    %c0_i32_1 = arith.constant 0 : i32
    return %c0_i32, %c0_i32_0 : i32, i32
  }
  func.func @transform_13(%arg0: i32) -> (i32, i32) {
    %c0_i32 = arith.constant 0 : i32
    %c0_i32_0 = arith.constant 0 : i32
    %c0_i32_1 = arith.constant 0 : i32
    return %c0_i32, %c0_i32_0 : i32, i32
  }
  func.func @transform_14(%arg0: i32) -> (i32, i32) {
    %c0_i32 = arith.constant 0 : i32
    %c0_i32_0 = arith.constant 0 : i32
    %c0_i32_1 = arith.constant 0 : i32
    return %c0_i32, %c0_i32_0 : i32, i32
  }
  func.func @transform_15(%arg0: i32) -> (i32, i32) {
    %c0_i32 = arith.constant 0 : i32
    %c0_i32_0 = arith.constant 0 : i32
    %c0_i32_1 = arith.constant 0 : i32
    return %c0_i32, %c0_i32_0 : i32, i32
  }
  func.func @transform_16(%arg0: i32) -> (i32, i32) {
    %c0_i32 = arith.constant 0 : i32
    %c0_i32_0 = arith.constant 0 : i32
    %c0_i32_1 = arith.constant 0 : i32
    return %c0_i32, %c0_i32_0 : i32, i32
  }
  func.func @transform_17(%arg0: i32) -> (i32, i32) {
    %c0_i32 = arith.constant 0 : i32
    %c0_i32_0 = arith.constant 0 : i32
    %c0_i32_1 = arith.constant 0 : i32
    return %c0_i32, %c0_i32_0 : i32, i32
  }
  func.func @transform_18(%arg0: i32) -> (i32, i32) {
    %c0_i32 = arith.constant 0 : i32
    %c0_i32_0 = arith.constant 0 : i32
    return %arg0, %c0_i32 : i32, i32
  }
  func.func @transform_19(%arg0: i32) -> (i32, i32) {
    %c0_i32 = arith.constant 0 : i32
    %c0_i32_0 = arith.constant 0 : i32
    return %arg0, %c0_i32 : i32, i32
  }
  func.func @transform_20(%arg0: i32) -> (i32, i32) {
    %c0_i32 = arith.constant 0 : i32
    %c0_i32_0 = arith.constant 0 : i32
    return %arg0, %c0_i32 : i32, i32
  }
  func.func @transform_21(%arg0: i32) -> (i32, i32) {
    %c0_i32 = arith.constant 0 : i32
    %c0_i32_0 = arith.constant 0 : i32
    return %arg0, %c0_i32 : i32, i32
  }
  func.func @transform_22(%arg0: i32) -> (i32, i32) {
    %c0_i32 = arith.constant 0 : i32
    %c0_i32_0 = arith.constant 0 : i32
    return %arg0, %c0_i32 : i32, i32
  }
}

</mosaic_0001>

<sc_bundles>
// kernel: kernel.10.cloned.1.call-start
scs
__scs_entry_jumppad:
0x0: {  	(pc) =	sbr.rel $0x88, $3  }
0x1: {  	(tag) =	ssettag $0x0;
	lr =	simm.s32 $0x1  }
0x2: {  	[smem:$0x3F7B] =	sst lr;
	_ =	strace $0xD0000000  }
0x3: {  	_ = 	snop  }
0x4: {  	_ = 	snop  }
0x5: {  	_ = 	snop  }
0x6: {  	_ = 	snop  }
0x7: {  	_ = 	snop  }
__scs_overlays_trampoline_lowered:
0x8: {  	[smem:$0x3F8A] =	sst s0  }
0x9: {  	[smem:$0x3F8B] =	sst s1  }
0xa: {  	[smem:$0x3F8C] =	sst s2  }
0xb: {  	[smem:$0x3F8D] =	sst s3  }
0xc: {  	[smem:$0x3F8E] =	sst s4  }
0xd: {  	[smem:$0x3F8F] =	sst s5  }
0xe: {  	[smem:$0x3F90] =	sst s6  }
0xf: {  	[smem:$0x3F91] =	sst s7  }
0x10: {  	[smem:$0x3F92] =	sst s8  }
0x11: {  	[smem:$0x3F93] =	sst s9;
	s0 =	simm.s32 @!p0 $0x0  }
0x12: {  	s1 =	sld [smem:$0x3F79];
	s0 =	simm.s32 @p0 $0x1  }
0x13: {  	[smem:$0x3F94] =	sst s0;
	s0 =	simm.s32 @!p1 $0x0  }
0x14: {  	s2 =	sld [smem:$0x3F78];
	s0 =	simm.s32 @p1 $0x1  }
0x15: {  	[smem:$0x3F95] =	sst s0;
	s0 =	simm.s32 @!p2 $0x0  }
0x16: {  	s3 =	sld [smem:$0x3FDB];
	s0 =	simm.s32 @p2 $0x1  }
0x17: {  	s4 =	simm.s32 $0x1BF5;
	[smem:$0x3F97] =	sst s0  }
0x18: {  	s0 =	sld [smem:$0x3F7A];
	_ =	swait.ge [sflag:s4], $0x0  }
0x19: {  	s7 =	sld [smem:$0x3F7B]  }
0x1a: {  	s8 =	sadd.s32 $0xFFFFE003, lr  }
0x1b: {  	s9 =	sadd.s32 $0xFFFFFEF7, lr;
	s5 =	simm.s32 $0xFFFFFFFF;
	p2 =	slt.u32 s8, $0xFFFFF086  }
0x1c: {  	p1 =	slt.u32 s9, $0xF7A;
	s5 =	simm.s32 @!p2 $0x0  }
0x1d: {  	s5 =	simm.s32 @p1 $0x1;
	p0 =	seq.s32 s7, s2  }
0x1e: {  	s7 =	smul.u32 @!p0 $0xF7A, s2;
	p2 =	seq.s32 @!p0 s5, $0x0  }
0x1f: {  	s9 =	smul.u32 $0xF7A, s1;
	s8 =	simm.s32 @!p0 $0x1BF5;
	p2 =	por !p2, p0  }
0x20: {  	[sflag:s8] =	ssyncset.s32 @!p0 $0xFFFFF086;
	s6 =	sadd.s32 @!p0 s3, s7;
	s7 =	simm.s32 @!p0 $0x108  }
0x21: {  	s3 =	sadd.s32 s3, s9;
	s6 =	sadd.s32 @!p0 $0x88, s6;
	s7 =	simm.s32 @p2 $0x1082  }
0x22: {  	[simem:s7], [sflag:s8] =	dma.local @!p0 [hbm:s6], $0xF7A  }
0x23: {  	s9 =	sor.u32 $0xD0000000, s2;
	s6 =	simm.s32 $0x108;
	_ =	swait.ge @!p0 [sflag:s8], $0x0  }
0x24: {  	s3 =	sadd.s32 $0x88, s3;
	s6 =	simm.s32 @!p1 $0x1082;
	[sflag:s4] =	ssyncset.s32 $0xFFFFF086  }
0x25: {  	[simem:s6], [sflag:s4] =	dma.local [hbm:s3], $0xF7A  }
0x26: {  	[smem:$0x3F7B] =	sst s1;
	(tag) =	ssettag s2;
	_ =	strace s9  }
0x27: {  	s1 =	sld [smem:$0x3F8B]  }
0x28: {  	s2 =	sld [smem:$0x3F8C]  }
0x29: {  	s4 =	sld [smem:$0x3F8E]  }
0x2a: {  	p0 =	seq.s32 s5, $0x0;
	s5 =	sld [smem:$0x3F8F]  }
0x2b: {  	s6 =	sld [smem:$0x3F90]  }
0x2c: {  	s7 =	sld [smem:$0x3F91]  }
0x2d: {  	s3 =	simm.s32 $0x108;
	s8 =	sld [smem:$0x3F92]  }
0x2e: {  	s3 =	simm.s32 @!p0 $0x1082;
	s9 =	sld [smem:$0x3F93]  }
0x2f: {  	lr =	sadd.s32 s0, s3;
	s0 =	sld [smem:$0x3F8A]  }
0x30: {  	s3 =	sld [smem:$0x3F8D]  }
0x31: {  	[smem:$0x3F96] =	sst s10  }
0x32: {  	s10 =	sld [smem:$0x3F94];
	_ =	sdelay $0x3  }
0x33: {  	p0 =	seq.s32 s10, $0x1;
	s10 =	sld [smem:$0x3F96];
	_ =	sdelay $0x3  }
0x34: {  	[smem:$0x3F96] =	sst s10  }
0x35: {  	s10 =	sld [smem:$0x3F95];
	_ =	sdelay $0x3  }
0x36: {  	p1 =	seq.s32 s10, $0x1;
	s10 =	sld [smem:$0x3F96];
	_ =	sdelay $0x3  }
0x37: {  	[smem:$0x3F96] =	sst s10  }
0x38: {  	s10 =	sld [smem:$0x3F97]  }
0x39: {  	_ = 	snop;
	(pc) =	sbr.ind lr, $3  }
0x3a: {  	_ = 	snop  }
0x3b: {  	_ = 	snop  }
0x3c: {  	p2 =	seq.s32 s10, $0x1;
	s10 =	sld [smem:$0x3F96]  }
0x3d: {  	_ =	shalt  }
0x3e: {  	_ =	shalt  }
0x3f: {  	_ =	shalt  }
0x40: {  	_ =	shalt  }
0x41: {  	_ =	shalt  }
0x42: {  	_ =	shalt  }
0x43: {  	_ =	shalt  }
0x44: {  	_ =	shalt  }
0x45: {  	_ =	shalt  }
0x46: {  	_ =	shalt  }
0x47: {  	_ =	shalt  }
0x48: {  	_ =	shalt  }
0x49: {  	_ =	shalt  }
0x4a: {  	_ =	shalt  }
0x4b: {  	_ =	shalt  }
0x4c: {  	_ =	shalt  }
0x4d: {  	_ =	shalt  }
0x4e: {  	_ =	shalt  }
0x4f: {  	_ =	shalt  }
0x50: {  	_ =	shalt  }
0x51: {  	_ =	shalt  }
0x52: {  	_ =	shalt  }
0x53: {  	_ =	shalt  }
0x54: {  	_ =	shalt  }
0x55: {  	_ =	shalt  }
0x56: {  	_ =	shalt  }
0x57: {  	_ =	shalt  }
0x58: {  	_ =	shalt  }
0x59: {  	_ =	shalt  }
0x5a: {  	_ =	shalt  }
0x5b: {  	_ =	shalt  }
0x5c: {  	_ =	shalt  }
0x5d: {  	_ =	shalt  }
0x5e: {  	_ =	shalt  }
0x5f: {  	_ =	shalt  }
0x60: {  	_ =	shalt  }
0x61: {  	_ =	shalt  }
0x62: {  	_ =	shalt  }
0x63: {  	_ =	shalt  }
0x64: {  	_ =	shalt  }
0x65: {  	_ =	shalt  }
0x66: {  	_ =	shalt  }
0x67: {  	_ =	shalt  }
0x68: {  	_ =	shalt  }
0x69: {  	_ =	shalt  }
0x6a: {  	_ =	shalt  }
0x6b: {  	_ =	shalt  }
0x6c: {  	_ =	shalt  }
0x6d: {  	_ =	shalt  }
0x6e: {  	_ =	shalt  }
0x6f: {  	_ =	shalt  }
0x70: {  	_ =	shalt  }
0x71: {  	_ =	shalt  }
0x72: {  	_ =	shalt  }
0x73: {  	_ =	shalt  }
0x74: {  	_ =	shalt  }
0x75: {  	_ =	shalt  }
0x76: {  	_ =	shalt  }
0x77: {  	_ =	shalt  }
0x78: {  	_ =	shalt  }
0x79: {  	_ =	shalt  }
0x7a: {  	_ =	shalt  }
0x7b: {  	_ =	shalt  }
0x7c: {  	_ =	shalt  }
0x7d: {  	_ =	shalt  }
0x7e: {  	_ =	shalt  }
0x7f: {  	_ =	shalt  }
0x80: {  	_ =	shalt  }
0x81: {  	_ =	shalt  }
0x82: {  	_ =	shalt  }
0x83: {  	_ =	shalt  }
0x84: {  	_ =	shalt  }
0x85: {  	_ =	shalt  }
0x86: {  	_ =	shalt  }
0x87: {  	_ =	shalt  }
.Lfunc_end0:
.L_simem_size_0:
called_computation_lowered:
.L_overlay_start_0:
0x88: {  	s2 =	sld [smem:$0x3FD9]  }
0x89: {  	s3 =	sld [smem:$0x3FFE];
	_ =	sdelay $0x1  }
0x8a: {  	s1 =	srdreg.scid  }
0x8b: {  	s0 =	sand.u32 $0x1, s1  }
0x8c: {  	s14 =	sshll.u32 s0, $0xA;
	s2 =	sadd.s32 s3, s2  }
0x8d: {  	s2 =	sadd.s32 s2, s14  }
0x8e: {  	[smem:$0x3FA2] =	sst s2  }
0x8f: {  	_ = 	snop  }
0x90: {  	s2 =	sld [smem:$0x3FD0];
	_ =	sdelay $0x2  }
0x91: {  	s15 =	simm.s32 $0xA;
	s4 =	simm.s32 $0x10  }
0x92: {  	[smem:s4], [sflag:s15] =	dma.local [hbm:s2], $0x1  }
0x93: {  	_ =	swait.eq [sflag:s15], $0x1  }
0x94: {  	[sflag:s15] =	ssyncset.done $0x0  }
0x95: {  	[sflag:s15] =	ssyncadd.s32 $0xFFFFFFFF  }
0x96: {  	s16 =	sld [smem:$0x14];
	(tm) =	ssettm $0x1  }
0x97: {  	s17 =	sld [smem:$0x3FFB];
	_ =	sdelay $0x3  }
0x98: {  	_ =	strace s17  }
0x99: {  	s3 =	sld [smem:$0x3FFC];
	_ =	sdelay $0x3  }
0x9a: {  	_ =	strace s3  }
0x9b: {  	s3 =	sld [smem:$0x3FFD];
	_ =	sdelay $0x3  }
0x9c: {  	_ =	strace s3  }
0x9d: {  	_ =	strace $0x8FFFFFFF  }
0x9e: {  	s18 =	sld [smem:$0x3FDB];
	_ =	sdelay $0x1  }
0x9f: {  	s19 =	simm.s32 $_scs_section_size  }
0xa0: {  	s5 =	simm.s32 $_size__tile_overlayer_lowered;
	s6 =	simm.s32 $_tile_overlayer_lowered  }
0xa1: {  	s22 =	simm.s32 $0x1BFF;
	s21 =	sshll.u32 s6, $0x1;
	s3 =	sadd.s32 s19, s18  }
0xa2: {  	s7 =	simm.s32 $0x0;
	s20 =	sshll.u32 s5, $0x1;
	s5 =	sadd.s32 s21, s3  }
0xa3: {  	[timem:s7], [sflag:s22] =	dma.local [hbm:s5], s20  }
0xa4: {  	_ =	swait.ge [sflag:s22], s20  }
0xa5: {  	s4 =	ssub.s32 $0x0, s20;
	[sflag:s22] =	ssyncset.done $0x0  }
0xa6: {  	[sflag:s22] =	ssyncadd.s32 s4;
	_ =	sdelay $0x1  }
0xa7: {  	s23 =	simm.s32 $0x1B8B  }
0xa8: {  	_ =	swait.ge [sflag:s23], $0x1  }
0xa9: {  	[sflag:s23] =	ssyncset.done $0x0  }
0xaa: {  	s25 =	simm.s32 $0x1B8E;
	s24 =	sld [smem:$0x3FFE];
	[sflag:s23] =	ssyncadd.s32 $0xFFFFFFFF  }
0xab: {  	s26 =	simm.s32 $execute0_lowered;
	[smem:$0x3FD2] =	sst s25  }
0xac: {  	s5 =	sshll.u32 s26, $0x1;
	_ =	strace $0x80000046;
	[dreg:$0x1] =	wrdreg $0xFFFFFFFF  }
0xad: {  	s28 =	simm.s32 $_size_execute0_lowered;
	s3 =	sadd.s32 s3, s5;
	[dreg:$0x0] =	wrdreg $0x0  }
0xae: {  	s5 =	sshll.u32 s28, $0x1;
	[dreg:$0x2] =	wrdreg s3  }
0xaf: {  	[dreg:$0x3] =	wrdreg s5  }
0xb0: {  	[dreg:$0x4] =	wrdreg $0xC0  }
0xb1: {  	_ =	task [dreg:s7], $0x5FFFF  }
0xb2: {  	[dreg:$0x1] =	wrdreg $0xFFFFFFFF  }
0xb3: {  	[dreg:$0x0] =	wrdreg $0x60  }
0xb4: {  	[dreg:$0x2] =	wrdreg s24  }
0xb5: {  	[dreg:$0x3] =	wrdreg s16  }
0xb6: {  	[dreg:$0x4] =	wrdreg $0x9  }
0xb7: {  	_ =	task.clear_ibuf [dreg:s7], $0x5FFFF;
	_ =	strace $0x90000046  }
0xb8: {  	s29 =	simm.s32 $0x9;
	_ =	strace $0x80000048  }
0xb9: {  	_ =	swait.ge [sflag:s29], $0x1  }
0xba: {  	[sflag:s29] =	ssyncadd.s32 $0xFFFFFFFF  }
0xbb: {  	_ =	strace $0x90000048  }
0xbc: {  	_ =	sfence  }
0xbd: {  	s30 =	sld [smem:$0x0];
	_ =	sdelay $0x2  }
0xbe: {  	s31 =	sshll.u32 s1, $0xD;
	s1 =	sshrl.u32 s1, $0x2  }
0xbf: {  	s3 =	sand.u32 $0x4000, s31;
	s1 =	sadd.s32 s1, s30  }
0xc0: {  	s0 =	sor.u32 s3, s0;
	s1 =	sshll.u32 s1, $0x11  }
0xc1: {  	s0 =	sor.u32 s1, s0  }
0xc2: {  	s0 =	sadd.s32 $0x8F2B, s0  }
0xc3: {  	[sflag:s0] =	ssyncadd.remote.s32 $0x1  }
0xc4: {  	_ =	sfence.sel $0xFFFF  }
0xc5: {  	[dreg:$0x0] =	wrdreg $0xFFFFFFFF;
	(pc) =	sbr.abs _section_cstart, $3  }
0xc6: {  	[dreg:$0x1] =	wrdreg $0xFFFFFFFF  }
0xc7: {  	_ =	task.clear_ibuf [dreg:s7], $0x2FFFF;
	_ =	strace $0x9FFFFFFF  }
0xc8: {  	(tm) =	ssettm $0x7FFFFFFF  }
0xc9: {  	_ =	shalt  }
tec
execute0_lowered:
.L_overlay_start_1:
0x0: {  	(tag) =	ssettag $0x1  }
0x1: {  	s5 =	rddreg [dreg:$0x0]  }
0x2: {  	s1 =	srdreg.scid;
	s0 =	stileid.u32  }
0x3: {  	s4 =	rddreg [dreg:$0x1];
	s2 =	simm.s32 $0x0;
	s10 =	simm.s32 $0x880  }
0x4: {  	s11 =	simm.s32 $0xC80;
	s12 =	simm.s32 $0x1480;
	s13 =	simm.s32 $0x1880  }
0x5: {  	s14 =	simm.s32 $0x2080;
	s3 =	sand.u32 $0x1, s1;
	s6 =	sshll.u32 s0, $0x1  }
0x6: {  	s15 =	simm.s32 $0x1;
	s1 =	rddreg [dreg:$0x2];
	s6 =	sor.u32 s3, s6  }
0x7: {  	[smem:$0x7FF] =	sst s2;
	s8 =	ssub.s32 $0x2, s3;
	s7 =	smul.u32 $0x480, s6  }
0x8: {  	_ =	strace $0x80000047;
	s9 =	sshrl.u32 s8, $0x1;
	s6 =	smul.u32 $0x3, s6  }
0x9: {  	v2 =	vlaneseq.u32;
	s3 =	sadd.s32 $0x6400, s5;
	s8 =	ssub.s32 s8, s9;
	s9 =	simm.s32 $0x80  }
0xa: {  	vm0 =	vmmov $0xffff;
	vm1 =	vmmov $0xff;
	v1 =	vshrl.u32 v2, $0x3;
	s7 =	sadd.s32 s7, s5;
	s4 =	sadd.s32 s4, s6;
	s5 =	sadd.s32 $0x6500, s5  }
0xb: {  	v0 =	vand.u32 $0x7, v2;
	v2 =	vor.u32 $0x8, v2;
	v1 =	vmul.u32 $0x8, v1;
	s6 =	sadd.s32 $0xF0A00, s7;
	s7 =	smax.u32 s8, $0x1;
	s8 =	simm.s32 $0x2  }
.LBB2_1:
0xc: {  	[tilespmem:s2], [sflag:$0x2] =	stream.linear.gather [hbm4b:s4+s2], $0x18, $0x38;
	[tilespmem:$0x2480] =	vst v63  }
0xd: {  	_ =	swait.ge [sflag:s8], $0x18  }
0xe: {  	[sflag:s8] =	ssyncset.done $0x0  }
0xf: {  	[sflag:s8] =	ssyncadd.s32 $0xFFFFFFE8  }
0x10: {  	v3 =	vld [tilespmem:$0x0];
	_ =	sdelay $0x4  }
0x11: {  	v4 =	vshrl.u32 v3, $0x3  }
0x12: {  	v4 =	vmul.u32 $0x18, v4  }
0x13: {  	v3 =	vand.u32 $0x7, v3  }
0x14: {  	v3 =	vor.u32 v3, v4  }
0x15: {  	v4 =	vperm.xlane v3, v0;
	_ =	sdelay $0x1  }
0x16: {  	v4 =	vadd.s32 v1, v4;
	_ =	sdelay $0x1  }
0x17: {  	v3 =	vperm.xlane v3, v2;
	_ =	sdelay $0x1  }
0x18: {  	v3 =	vadd.s32 v1, v3  }
0x19: {  	[tilespmem:s9], [sflag:$0x1] =	stream.indirect_vreg.gather [hbm4b:s3+s2], $0x80, v4, vm0, $0xb8;
	[tilespmem:$0x2480] =	vst v63  }
0x1a: {  	_ = 	snop  }
0x1b: {  	[tilespmem:s10], [sflag:$0x1] =	stream.indirect_vreg.gather [hbm4b:s5+s2], $0x80, v4, vm1, $0xb8;
	[tilespmem:$0x2480] =	vst v63  }
0x1c: {  	_ = 	snop  }
0x1d: {  	[tilespmem:s11], [sflag:$0x1] =	stream.indirect_vreg.gather [hbm4b:s3+s2], $0x80, v3, vm0, $0xb8;
	[tilespmem:$0x2480] =	vst v63  }
0x1e: {  	_ = 	snop  }
0x1f: {  	[tilespmem:s12], [sflag:$0x1] =	stream.indirect_vreg.gather [hbm4b:s5+s2], $0x80, v3, vm1, $0xb8;
	[tilespmem:$0x2480] =	vst v63  }
0x20: {  	v3 =	vld.msk [tilespmem:$0x10], $0xff;
	_ =	sdelay $0x4  }
0x21: {  	v63 =	vshrl.u32 v3, $0x3  }
0x22: {  	v4 =	vmul.u32 $0x18, v63  }
0x23: {  	v3 =	vand.u32 $0x7, v3  }
0x24: {  	v3 =	vor.u32 v3, v4  }
0x25: {  	v3 =	vperm.xlane v3, v0;
	_ =	sdelay $0x1  }
0x26: {  	v3 =	vadd.s32 v1, v3;
	_ =	sdelay $0x4  }
0x27: {  	[tilespmem:s13], [sflag:$0x1] =	stream.indirect_vreg.gather [hbm4b:s3+s2], $0x80, v3, vm0, $0xb8;
	[tilespmem:$0x2480] =	vst v63  }
0x28: {  	_ = 	snop  }
0x29: {  	[tilespmem:s14], [sflag:$0x1] =	stream.indirect_vreg.gather [hbm4b:s5+s2], $0x80, v3, vm1, $0xb8;
	[tilespmem:$0x2480] =	vst v63  }
0x2a: {  	_ =	swait.ge [sflag:s15], $0x2400  }
0x2b: {  	p0 =	sne.s32 s7, $0x1;
	[sflag:s15] =	ssyncset.done $0x0  }
.Ltmp0:
0x2c: {  	[sflag:s15] =	ssyncadd.s32 $0xFFFFDC00;
	(pc) =	sbr.rel @p0 .LBB2_1-.Ltmp0, $4  }
0x2d: {  	[hbm4b:s6+s2] =	stream.linear.scatter [tilespmem:s9], [sflag:$0x2], $0x2400, $0x38;
	[tilespmem:$0x2480] =	vst v63  }
0x2e: {  	_ =	swait.ge [sflag:s8], $0x2400  }
0x2f: {  	[sflag:s8] =	ssyncset.done $0x0  }
0x30: {  	s7 =	sadd.s32 $0xFFFFFFFF, s7;
	[sflag:s8] =	ssyncadd.s32 $0xFFFFDC00  }
0x31: {  	_ =	sfence.sel $0x180000  }
0x32: {  	[bflag:$0x0] =	sbarrier.arrive $0xFFFF  }
0x33: {  	p0 =	sne.s32 s0, $0x0;
	_ =	strace $0x90000047  }
0x34: {  	s0 =	sadd.s32 @!p0 $0x100000, s1;
	[bflag:$0x2] =	sbarrier.arrive $0xFFFF  }
0x35: {  	[sflag:s0] =	ssyncadd.tile.s32 @!p0 $0x1;
	_ =	shalt  }
.Lfunc_end2:
_tile_overlayer_lowered:
.L_overlay_start_2:
0x36: {  	(tag) =	ssettag $0x2  }
0x37: {  	s0 =	rddreg [dreg:$0x0];
	s2 =	stileid.u32  }
0x38: {  	s1 =	rddreg [dreg:$0x1];
	p0 =	sne.s32 s2, $0x0  }
0x39: {  	s3 =	rddreg [dreg:$0x2];
	[bflag:$0x3] =	sbarrier.arrive $0xFFFF;
	s2 =	simm.s32 @!p0 $0x1C02  }
0x3a: {  	[timem:s3], [sflag:s2] =	dma.local @!p0 [hbm:s0], s1  }
0x3b: {  	s0 =	simm.s32 @!p0 $0x2  }
0x3c: {  	_ =	swait.ge @!p0 [sflag:s0], s1  }
0x3d: {  	s1 =	ssub.s32 @!p0 $0x0, s1;
	[sflag:s0] =	ssyncset.done @!p0 $0x0  }
0x3e: {  	[sflag:s0] =	ssyncadd.s32 @!p0 s1  }
0x3f: {  	[bflag:$0x3] =	sbarrier.arrive $0xFFFF  }
0x40: {  	_ =	shalt  }

</sc_bundles>
